<compile_context>
chip_gen: v7x
topology: tpu7x:2x2x1
jax: 0.10.2.dev20260603
libtpu: 0.0.44.dev20260713+nightly
codegen_flags: <defaults>
</compile_context>

<pallas_src>
import functools

import jax
import jax.numpy as jnp
from jax import lax
from jax.experimental import pallas as pl
from jax.experimental.pallas import tpu as pltpu
from jax.experimental.pallas import tpu_sc as plsc

_TEMPER = 0.5
_NC = 2
_NS = 16
_L = 16
_BIG = 2 ** 30


@functools.lru_cache(maxsize=None)
def _build(n_total: int, n_hvg: int):
    nwk = _NC * _NS - 1
    ch = ((n_total + nwk - 1) // nwk + _L - 1) // _L * _L
    ch = max(ch, _L)
    assert ch % 8 == 0 and n_total % 8 == 0 and n_hvg % _L == 0
    last_off = n_total - ch
    nvec = n_hvg // _L
    dps = -(-nvec // _NS)
    dps = ((dps + _L - 1) // _L) * _L
    sl_cap = dps * _L + _L
    sl_last = n_hvg - sl_cap
    assert sl_last >= 0 and sl_last % _L == 0 and _NS * dps >= nvec
    bs_iters = max(1, (nvec - 1).bit_length()) + 1
    wcap = ch + 2 * _L
    wb_max = (n_hvg - wcap) // _L
    assert wb_max >= 0 and (n_hvg - wcap) % _L == 0
    av = -(-n_hvg // (_NS * _L))
    a_last_v = (n_hvg - av * _L) // _L

    mesh = plsc.VectorSubcoreMesh(core_axis_name="c", subcore_axis_name="s")

    @functools.partial(
        pl.kernel,
        out_type=(
            jax.ShapeDtypeStruct((n_total,), jnp.float32),
            jax.ShapeDtypeStruct((n_total,), jnp.float32),
            jax.ShapeDtypeStruct((_L,), jnp.int32),
        ),
        mesh=mesh,
        compiler_params=pltpu.CompilerParams(
            needs_layout_passes=False,
            disable_bounds_checks=True,
            skip_device_barrier=True,
        ),
        scratch_types=[
            pltpu.VMEM((sl_cap,), jnp.int32),
            pltpu.VMEM((dps,), jnp.int32),
            pltpu.VMEM((_NS * dps,), jnp.int32),
            pltpu.VMEM((wcap,), jnp.int32),
            pltpu.VMEM((wcap,), jnp.float32),
            pltpu.VMEM((av * _L,), jnp.float32),
            pltpu.VMEM((av * _L,), jnp.int32),
            pltpu.VMEM((_L,), jnp.float32),
            pltpu.VMEM((ch,), jnp.float32),
            pltpu.VMEM((_L,), jnp.int32),
            pltpu.VMEM((3 * _L,), jnp.float32),
            pltpu.VMEM((_NS * 3 * _L,), jnp.float32),
            pltpu.VMEM_SHARED((_NS * dps,), jnp.int32),
            pltpu.VMEM_SHARED((_NS * 3 * _L,), jnp.float32),
            pltpu.SemaphoreType.DMA,
            pltpu.SemaphoreType.DMA,
            pltpu.SemaphoreType.DMA,
            pltpu.SemaphoreType.DMA,
            pltpu.SemaphoreType.DMA,
            pltpu.SemaphoreType.DMA,
            pltpu.SemaphoreType.DMA,
        ],
    )
    def sc_kernel(hvg_hbm, idx_hbm, unn_hbm, th_hbm, w_hbm, w2_hbm, k_hbm,
                  sl_v, dirc_v, dir_v, hvg_w, idx_w, idx_am, unn_sl, th_v,
                  wbuf, kbuf, stage_v, red_v, dir_sh, sh_v,
                  sem_sl, sem_ia, sem_u, sem_t, sem_hw, sem_w, sem_w2):
        cid = lax.axis_index("c")
        sid = lax.axis_index("s")
        wid = sid * _NC + cid
        off = jnp.minimum(jnp.maximum(wid - 1, 0) * ch, last_off)
        a0 = jnp.minimum(sid * av, a_last_v)
        sl_base = jnp.minimum(sid * dps * _L, jnp.int32(sl_last))
        dshift = sid * dps - lax.div(sl_base, jnp.int32(_L))

        cp_sl = pltpu.async_copy(
            hvg_hbm.at[pl.ds(sl_base, sl_cap)], sl_v, sem_sl)
        cp_t = pltpu.async_copy(th_hbm, th_v.at[pl.ds(0, 1)], sem_t)
        cp_ia = pltpu.async_copy(
            idx_hbm.at[pl.ds(a0 * _L, av * _L)], idx_am, sem_ia)
        cp_u = pltpu.async_copy(
            unn_hbm.at[pl.ds(a0 * _L, av * _L)], unn_sl, sem_u)

        ones16 = jnp.full((_L,), 1.0, jnp.float32)
        for j in range(ch // _L):
            wbuf[pl.ds(j * _L, _L)] = ones16

        lane = lax.iota(jnp.int32, _L)

        cp_sl.wait()
        for g in range(dps // _L):
            e = jnp.minimum((g * _L + dshift) * _L + lane * _L,
                            jnp.int32(sl_cap - _L))
            dirc_v[pl.ds(g * _L, _L)] = plsc.load_gather(sl_v, [e])
        pltpu.sync_copy(dirc_v, dir_sh.at[pl.ds(sid * dps, dps)])

        cp_t.wait()
        cp_ia.wait()
        cp_u.wait()
        t = jnp.full((_L,), th_v[...][0], jnp.float32)

        @pl.when(cid == 0)
        def _():
            def amin(j, carry):
                best, bpos, buvl = carry
                iv = idx_am[pl.ds(j * _L, _L)]
                uv = unn_sl[pl.ds(j * _L, _L)]
                d = jnp.abs(iv - t)
                pos = (a0 + j) * _L + lane
                upd = d < best
                return (jnp.where(upd, d, best), jnp.where(upd, pos, bpos),
                        jnp.where(upd, uv, buvl))

            best, bpos, buvl = lax.fori_loop(
                0, av, amin,
                (jnp.full((_L,), jnp.inf, jnp.float32),
                 jnp.zeros((_L,), jnp.int32),
                 jnp.zeros((_L,), jnp.int32)))
            stage_v[pl.ds(0, _L)] = best
            stage_v[pl.ds(_L, _L)] = plsc.bitcast(bpos, jnp.float32)
            stage_v[pl.ds(2 * _L, _L)] = plsc.bitcast(buvl, jnp.float32)
            pltpu.sync_copy(stage_v, sh_v.at[pl.ds(sid * 3 * _L, 3 * _L)])

        plsc.subcore_barrier()

        @pl.when(wid == 0)
        def _():
                pltpu.sync_copy(sh_v, red_v)
                rows = []
                for r in range(_NS):
                    dr = red_v[pl.ds(r * 3 * _L, _L)]
                    pr = plsc.bitcast(red_v[pl.ds(r * 3 * _L + _L, _L)],
                                      jnp.int32)
                    ur = plsc.bitcast(red_v[pl.ds(r * 3 * _L + 2 * _L, _L)],
                                      jnp.int32)
                    rows.append((dr, pr, ur))
                mv = rows[0][0]
                for dr, _, _ in rows[1:]:
                    mv = jnp.minimum(mv, dr)
                mn = jnp.min(mv)
                pc = jnp.full((_L,), _BIG, jnp.int32)
                for dr, pr, _ in rows:
                    pc = jnp.minimum(pc, jnp.where(dr == mn, pr, _BIG))
                p = jnp.min(pc)
                kc = jnp.full((_L,), _BIG, jnp.int32)
                for dr, pr, ur in rows:
                    kc = jnp.minimum(
                        kc, jnp.where((dr == mn) & (pr == p), ur, _BIG))
                kbuf[...] = jnp.full((_L,), jnp.min(kc), jnp.int32)
                pltpu.sync_copy(kbuf, k_hbm)

        @pl.when(wid > 0)
        def _():
            pltpu.sync_copy(dir_sh, dir_v)

            def lower_bound_vec(target):
                def step(_, lohi):
                    lo, hi = lohi
                    mid = lax.div(lo + hi, jnp.int32(2))
                    ld = jnp.minimum(mid, jnp.int32(nvec - 1))
                    v = plsc.load_gather(
                        dir_v, [jnp.full((_L,), ld, jnp.int32)])[0]
                    below = v < target
                    return (jnp.where(below, mid + 1, lo),
                            jnp.where(below, hi, mid))

                lo, _ = lax.fori_loop(
                    0, bs_iters, step, (jnp.int32(0), jnp.int32(nvec)))
                return jnp.minimum(lo, jnp.int32(nvec))

            jv_lo = jnp.maximum(lower_bound_vec(off) - 1, 0)
            jv_hi = lower_bound_vec(off + ch)
            wb = jnp.minimum(jv_lo, jnp.int32(wb_max))
            cp_hw = pltpu.async_copy(
                hvg_hbm.at[pl.ds(wb * _L, wcap)], hvg_w, sem_hw)
            cp_iw = pltpu.async_copy(
                idx_hbm.at[pl.ds(wb * _L, wcap)], idx_w, sem_sl)
            cp_hw.wait()
            cp_iw.wait()

            def scan(j, carry):
                g = hvg_w[pl.ds((j - wb) * _L, _L)]
                iv = idx_w[pl.ds((j - wb) * _L, _L)]
                m = 1.0 / (1.0 + jnp.exp((iv - t) * (1.0 / _TEMPER)))
                inr = (g >= off) & (g < off + ch)
                loc = jnp.clip(g - off, 0, ch - 1)
                plsc.store_scatter(wbuf, [loc], m, mask=inr)
                return carry

            lax.fori_loop(jv_lo, jv_hi, scan, 0)
            cp_w = pltpu.async_copy(wbuf, w_hbm.at[pl.ds(off, ch)], sem_w)
            cp_w2 = pltpu.async_copy(wbuf, w2_hbm.at[pl.ds(off, ch)], sem_w2)
            cp_w.wait()
            cp_w2.wait()

    return sc_kernel


def kernel(y, eval_gene_idx, train_highly_gene_idx, train_low_gene_idx,
           index, unnorm_index, thresh):
    n_total = (eval_gene_idx.shape[0] + train_highly_gene_idx.shape[0]
               + train_low_gene_idx.shape[0])
    n_hvg = train_highly_gene_idx.shape[0]
    w, w2, kv = _build(n_total, n_hvg)(
        train_highly_gene_idx, index, unnorm_index, thresh.reshape(1))
    return (w, w2, thresh, kv[0])

# --- scband reference (transcript-rebuilt; emitter-appended) ---
"""Pipeline reference for scband-maxl-weight-estimater-80453327389370 (READ-ONLY COPY).

The authoritative reference and input builder live on the scoring server;
editing this copy changes nothing except your own understanding.
"""

import jax, jax.numpy as jnp
import numpy as np

N_TOTAL = 100000
N_HVG = 20000
N_EVAL = 20000
N_LOW = 60000
TEMPER = 0.5


def setup_inputs(seed: int = 0) -> dict:
    rs = np.random.RandomState(0)
    perm = rs.permutation(N_TOTAL)
    hvg_genes = np.sort(perm[:N_HVG]).astype(np.int32)
    eval_genes = np.sort(perm[N_HVG:N_HVG + N_EVAL]).astype(np.int32)
    low_genes = np.sort(perm[N_HVG + N_EVAL:]).astype(np.int32)
    # __init__ logic: hvg_score gathered at HVG gene positions, ranked descending,
    # rank buffer normalized to [0, 1]; thresh param initialized to mean rank.
    hvg_score_all = np.random.RandomState(1).rand(N_TOTAL).astype(np.float32)
    score = hvg_score_all[hvg_genes]
    order = np.argsort(-score, kind='stable')
    rank = np.empty(N_HVG, dtype=np.int64)
    rank[order] = np.arange(N_HVG)
    unnorm_index = rank.astype(np.int32)
    index = ((rank - rank.min()) / float(rank.max() - rank.min())).astype(np.float32)
    thresh = jnp.asarray(np.float32(index.mean()))
    key = jax.random.key(seed)
    y = jax.random.normal(key, (256, N_TOTAL), dtype=jnp.float32)
    return {
        'y': y,
        'eval_gene_idx': jnp.asarray(eval_genes),
        'train_highly_gene_idx': jnp.asarray(hvg_genes),
        'train_low_gene_idx': jnp.asarray(low_genes),
        'index': jnp.asarray(index),
        'unnorm_index': jnp.asarray(unnorm_index),
        'thresh': thresh,
    }


def reference(y, eval_gene_idx, train_highly_gene_idx, train_low_gene_idx, index, unnorm_index, thresh):
    n_hvg = train_highly_gene_idx.shape[0]
    thresh_list = jnp.broadcast_to(thresh, (n_hvg,))
    mask = jnp.concatenate([thresh_list[:, None], index[:, None]], axis=1)
    mask = jax.nn.softmax(mask / TEMPER, axis=1)
    mask = mask[:, 0]
    n_total = eval_gene_idx.shape[0] + train_highly_gene_idx.shape[0] + train_low_gene_idx.shape[0]
    ones_tensor = jnp.ones((n_total,), dtype=y.dtype)
    ones_tensor = ones_tensor.at[train_highly_gene_idx].set(mask)
    diff = jnp.abs(index - thresh)
    k = unnorm_index[jnp.argmin(diff)]
    # dict output {'w','row_w','thresh','k'} returned as tuple
    return (ones_tensor, ones_tensor, thresh, k)

if __name__ == "__main__":
    import jax
    _d = setup_inputs()
    print(jax.jit(kernel)(*tuple(_d.values())))

</pallas_src>

<mosaic_0001>
#map = affine_map<(d0, d1) -> (0)>
module attributes {stable_mosaic.version = 14 : i64} {
  func.func @sc_kernel(%arg0: i32, %arg1: i32, %arg2: memref<20000xi32, #tpu.memory_space<hbm>>, %arg3: memref<20000xf32, #tpu.memory_space<hbm>>, %arg4: memref<20000xi32, #tpu.memory_space<hbm>>, %arg5: memref<1xf32, #tpu.memory_space<hbm>>, %arg6: memref<100000xf32, #tpu.memory_space<hbm>>, %arg7: memref<100000xf32, #tpu.memory_space<hbm>>, %arg8: memref<16xi32, #tpu.memory_space<hbm>>, %arg9: memref<1296xi32, #tpu.memory_space<vmem>>, %arg10: memref<80xi32, #tpu.memory_space<vmem>>, %arg11: memref<1280xi32, #tpu.memory_space<vmem>>, %arg12: memref<3264xi32, #tpu.memory_space<vmem>>, %arg13: memref<3264xf32, #tpu.memory_space<vmem>>, %arg14: memref<1264xf32, #tpu.memory_space<vmem>>, %arg15: memref<1264xi32, #tpu.memory_space<vmem>>, %arg16: memref<16xf32, #tpu.memory_space<vmem>>, %arg17: memref<3232xf32, #tpu.memory_space<vmem>>, %arg18: memref<16xi32, #tpu.memory_space<vmem>>, %arg19: memref<48xf32, #tpu.memory_space<vmem>>, %arg20: memref<768xf32, #tpu.memory_space<vmem>>, %arg21: memref<1280xi32, #tpu.memory_space<vmem_shared>>, %arg22: memref<768xf32, #tpu.memory_space<vmem_shared>>, %arg23: memref<!tpu.dma_semaphore, #tpu.memory_space<semaphore_mem>>, %arg24: memref<!tpu.dma_semaphore, #tpu.memory_space<semaphore_mem>>, %arg25: memref<!tpu.dma_semaphore, #tpu.memory_space<semaphore_mem>>, %arg26: memref<!tpu.dma_semaphore, #tpu.memory_space<semaphore_mem>>, %arg27: memref<!tpu.dma_semaphore, #tpu.memory_space<semaphore_mem>>, %arg28: memref<!tpu.dma_semaphore, #tpu.memory_space<semaphore_mem>>, %arg29: memref<!tpu.dma_semaphore, #tpu.memory_space<semaphore_mem>>) attributes {dimension_semantics = [#tpu.dimension_semantics<core_parallel>, #tpu.dimension_semantics<subcore_parallel>], iteration_bounds = array<i64: 2, 16>, scalar_prefetch = 0 : i64, scratch_operands = 21 : i64, tpu.core_type = #tpu.core_type<sc_vector_subcore>, window_params = [{transform_indices = #map}, {transform_indices = #map}, {transform_indices = #map}, {transform_indices = #map}, {transform_indices = #map}, {transform_indices = #map}, {transform_indices = #map}]} {
    %mul3A = arith.constant 2 : i32
    %mul3A_0 = arith.muli %arg1, %mul3A : i32
    %add3A = arith.addi %mul3A_0, %arg0 : i32
    %sub3A = arith.constant 1 : i32
    %sub3A_1 = arith.subi %add3A, %sub3A : i32
    %max3A = arith.constant 0 : i32
    %max3A_2 = arith.maxsi %sub3A_1, %max3A : i32
    %mul3A_3 = arith.constant 3232 : i32
    %mul3A_4 = arith.muli %max3A_2, %mul3A_3 : i32
    %min3A = arith.constant 96768 : i32
    %min3A_5 = arith.minsi %mul3A_4, %min3A : i32
    %mul3A_6 = arith.constant 79 : i32
    %mul3A_7 = arith.muli %arg1, %mul3A_6 : i32
    %min3A_8 = arith.constant 1171 : i32
    %min3A_9 = arith.minsi %mul3A_7, %min3A_8 : i32
    %mul3A_10 = arith.constant 80 : i32
    %mul3A_11 = arith.muli %arg1, %mul3A_10 : i32
    %mul3A_12 = arith.constant 16 : i32
    %mul3A_13 = arith.muli %mul3A_11, %mul3A_12 : i32
    %min3A_14 = arith.constant 18704 : i32
    %min3A_15 = arith.minsi %mul3A_13, %min3A_14 : i32
    %mul3A_16 = arith.constant 80 : i32
    %mul3A_17 = arith.muli %arg1, %mul3A_16 : i32
    %div3A = arith.constant 16 : i32
    %div3A_18 = arith.divsi %min3A_15, %div3A : i32
    %sub3A_19 = arith.subi %mul3A_17, %div3A_18 : i32
    %dma_start3A = tpu.memref_slice %arg2[%min3A_15] : memref<20000xi32, #tpu.memory_space<hbm>> -> memref<1296xi32, #tpu.memory_space<hbm>>
    %dma_start3A_20 = tpu.memref_slice %arg2[%min3A_15] : memref<20000xi32, #tpu.memory_space<hbm>> -> memref<1296xi32, #tpu.memory_space<hbm>>
    tpu.enqueue_dma source(%dma_start3A_20 : memref<1296xi32, #tpu.memory_space<hbm>>) target(%arg9 : memref<1296xi32, #tpu.memory_space<vmem>>) target_semaphore(%arg23 : memref<!tpu.dma_semaphore, #tpu.memory_space<semaphore_mem>>)
    %dma_start3A_21 = arith.constant 0 : i32
    %dma_start3A_22 = tpu.memref_slice %arg16[%dma_start3A_21] : memref<16xf32, #tpu.memory_space<vmem>> -> memref<1xf32, #tpu.memory_space<vmem>>
    %dma_start3A_23 = arith.constant 0 : i32
    %dma_start3A_24 = tpu.memref_slice %arg16[%dma_start3A_23] : memref<16xf32, #tpu.memory_space<vmem>> -> memref<1xf32, #tpu.memory_space<vmem>>
    tpu.enqueue_dma source(%arg5 : memref<1xf32, #tpu.memory_space<hbm>>) target(%dma_start3A_24 : memref<1xf32, #tpu.memory_space<vmem>>) target_semaphore(%arg26 : memref<!tpu.dma_semaphore, #tpu.memory_space<semaphore_mem>>)
    %mul3A_25 = arith.constant 16 : i32
    %mul3A_26 = arith.muli %min3A_9, %mul3A_25 : i32
    %dma_start3A_27 = tpu.memref_slice %arg3[%mul3A_26] : memref<20000xf32, #tpu.memory_space<hbm>> -> memref<1264xf32, #tpu.memory_space<hbm>>
    %dma_start3A_28 = tpu.memref_slice %arg3[%mul3A_26] : memref<20000xf32, #tpu.memory_space<hbm>> -> memref<1264xf32, #tpu.memory_space<hbm>>
    tpu.enqueue_dma source(%dma_start3A_28 : memref<1264xf32, #tpu.memory_space<hbm>>) target(%arg14 : memref<1264xf32, #tpu.memory_space<vmem>>) target_semaphore(%arg24 : memref<!tpu.dma_semaphore, #tpu.memory_space<semaphore_mem>>)
    %mul3A_29 = arith.constant 16 : i32
    %mul3A_30 = arith.muli %min3A_9, %mul3A_29 : i32
    %dma_start3A_31 = tpu.memref_slice %arg4[%mul3A_30] : memref<20000xi32, #tpu.memory_space<hbm>> -> memref<1264xi32, #tpu.memory_space<hbm>>
    %dma_start3A_32 = tpu.memref_slice %arg4[%mul3A_30] : memref<20000xi32, #tpu.memory_space<hbm>> -> memref<1264xi32, #tpu.memory_space<hbm>>
    tpu.enqueue_dma source(%dma_start3A_32 : memref<1264xi32, #tpu.memory_space<hbm>>) target(%arg15 : memref<1264xi32, #tpu.memory_space<vmem>>) target_semaphore(%arg25 : memref<!tpu.dma_semaphore, #tpu.memory_space<semaphore_mem>>)
    %broadcast_in_dim3A = arith.constant 1.000000e+00 : f32
    %broadcast_in_dim3A_33 = vector.broadcast %broadcast_in_dim3A : f32 to vector<16xf32>
    %swap3A = arith.constant 0 : index
    %swap3A_34 = tpu.vector_load %arg17[%swap3A] {strides = array<i32>} : memref<3232xf32, #tpu.memory_space<vmem>>, vector<16xf32>,
    tpu.vector_store %arg17[%swap3A], %broadcast_in_dim3A_33 {strides = array<i32>} : memref<3232xf32, #tpu.memory_space<vmem>>, vector<16xf32>,
    %swap3A_35 = arith.constant 16 : index
    %swap3A_36 = tpu.vector_load %arg17[%swap3A_35] {strides = array<i32>} : memref<3232xf32, #tpu.memory_space<vmem>>, vector<16xf32>,
    tpu.vector_store %arg17[%swap3A_35], %broadcast_in_dim3A_33 {strides = array<i32>} : memref<3232xf32, #tpu.memory_space<vmem>>, vector<16xf32>,
    %swap3A_37 = arith.constant 32 : index
    %swap3A_38 = tpu.vector_load %arg17[%swap3A_37] {strides = array<i32>} : memref<3232xf32, #tpu.memory_space<vmem>>, vector<16xf32>,
    tpu.vector_store %arg17[%swap3A_37], %broadcast_in_dim3A_33 {strides = array<i32>} : memref<3232xf32, #tpu.memory_space<vmem>>, vector<16xf32>,
    %swap3A_39 = arith.constant 48 : index
    %swap3A_40 = tpu.vector_load %arg17[%swap3A_39] {strides = array<i32>} : memref<3232xf32, #tpu.memory_space<vmem>>, vector<16xf32>,
    tpu.vector_store %arg17[%swap3A_39], %broadcast_in_dim3A_33 {strides = array<i32>} : memref<3232xf32, #tpu.memory_space<vmem>>, vector<16xf32>,
    %swap3A_41 = arith.constant 64 : index
    %swap3A_42 = tpu.vector_load %arg17[%swap3A_41] {strides = array<i32>} : memref<3232xf32, #tpu.memory_space<vmem>>, vector<16xf32>,
    tpu.vector_store %arg17[%swap3A_41], %broadcast_in_dim3A_33 {strides = array<i32>} : memref<3232xf32, #tpu.memory_space<vmem>>, vector<16xf32>,
    %swap3A_43 = arith.constant 80 : index
    %swap3A_44 = tpu.vector_load %arg17[%swap3A_43] {strides = array<i32>} : memref<3232xf32, #tpu.memory_space<vmem>>, vector<16xf32>,
    tpu.vector_store %arg17[%swap3A_43], %broadcast_in_dim3A_33 {strides = array<i32>} : memref<3232xf32, #tpu.memory_space<vmem>>, vector<16xf32>,
    %swap3A_45 = arith.constant 96 : index
    %swap3A_46 = tpu.vector_load %arg17[%swap3A_45] {strides = array<i32>} : memref<3232xf32, #tpu.memory_space<vmem>>, vector<16xf32>,
    tpu.vector_store %arg17[%swap3A_45], %broadcast_in_dim3A_33 {strides = array<i32>} : memref<3232xf32, #tpu.memory_space<vmem>>, vector<16xf32>,
    %swap3A_47 = arith.constant 112 : index
    %swap3A_48 = tpu.vector_load %arg17[%swap3A_47] {strides = array<i32>} : memref<3232xf32, #tpu.memory_space<vmem>>, vector<16xf32>,
    tpu.vector_store %arg17[%swap3A_47], %broadcast_in_dim3A_33 {strides = array<i32>} : memref<3232xf32, #tpu.memory_space<vmem>>, vector<16xf32>,
    %swap3A_49 = arith.constant 128 : index
    %swap3A_50 = tpu.vector_load %arg17[%swap3A_49] {strides = array<i32>} : memref<3232xf32, #tpu.memory_space<vmem>>, vector<16xf32>,
    tpu.vector_store %arg17[%swap3A_49], %broadcast_in_dim3A_33 {strides = array<i32>} : memref<3232xf32, #tpu.memory_space<vmem>>, vector<16xf32>,
    %swap3A_51 = arith.constant 144 : index
    %swap3A_52 = tpu.vector_load %arg17[%swap3A_51] {strides = array<i32>} : memref<3232xf32, #tpu.memory_space<vmem>>, vector<16xf32>,
    tpu.vector_store %arg17[%swap3A_51], %broadcast_in_dim3A_33 {strides = array<i32>} : memref<3232xf32, #tpu.memory_space<vmem>>, vector<16xf32>,
    %swap3A_53 = arith.constant 160 : index
    %swap3A_54 = tpu.vector_load %arg17[%swap3A_53] {strides = array<i32>} : memref<3232xf32, #tpu.memory_space<vmem>>, vector<16xf32>,
    tpu.vector_store %arg17[%swap3A_53], %broadcast_in_dim3A_33 {strides = array<i32>} : memref<3232xf32, #tpu.memory_space<vmem>>, vector<16xf32>,
    %swap3A_55 = arith.constant 176 : index
    %swap3A_56 = tpu.vector_load %arg17[%swap3A_55] {strides = array<i32>} : memref<3232xf32, #tpu.memory_space<vmem>>, vector<16xf32>,
    tpu.vector_store %arg17[%swap3A_55], %broadcast_in_dim3A_33 {strides = array<i32>} : memref<3232xf32, #tpu.memory_space<vmem>>, vector<16xf32>,
    %swap3A_57 = arith.constant 192 : index
    %swap3A_58 = tpu.vector_load %arg17[%swap3A_57] {strides = array<i32>} : memref<3232xf32, #tpu.memory_space<vmem>>, vector<16xf32>,
    tpu.vector_store %arg17[%swap3A_57], %broadcast_in_dim3A_33 {strides = array<i32>} : memref<3232xf32, #tpu.memory_space<vmem>>, vector<16xf32>,
    %swap3A_59 = arith.constant 208 : index
    %swap3A_60 = tpu.vector_load %arg17[%swap3A_59] {strides = array<i32>} : memref<3232xf32, #tpu.memory_space<vmem>>, vector<16xf32>,
    tpu.vector_store %arg17[%swap3A_59], %broadcast_in_dim3A_33 {strides = array<i32>} : memref<3232xf32, #tpu.memory_space<vmem>>, vector<16xf32>,
    %swap3A_61 = arith.constant 224 : index
    %swap3A_62 = tpu.vector_load %arg17[%swap3A_61] {strides = array<i32>} : memref<3232xf32, #tpu.memory_space<vmem>>, vector<16xf32>,
    tpu.vector_store %arg17[%swap3A_61], %broadcast_in_dim3A_33 {strides = array<i32>} : memref<3232xf32, #tpu.memory_space<vmem>>, vector<16xf32>,
    %swap3A_63 = arith.constant 240 : index
    %swap3A_64 = tpu.vector_load %arg17[%swap3A_63] {strides = array<i32>} : memref<3232xf32, #tpu.memory_space<vmem>>, vector<16xf32>,
    tpu.vector_store %arg17[%swap3A_63], %broadcast_in_dim3A_33 {strides = array<i32>} : memref<3232xf32, #tpu.memory_space<vmem>>, vector<16xf32>,
    %swap3A_65 = arith.constant 256 : index
    %swap3A_66 = tpu.vector_load %arg17[%swap3A_65] {strides = array<i32>} : memref<3232xf32, #tpu.memory_space<vmem>>, vector<16xf32>,
    tpu.vector_store %arg17[%swap3A_65], %broadcast_in_dim3A_33 {strides = array<i32>} : memref<3232xf32, #tpu.memory_space<vmem>>, vector<16xf32>,
    %swap3A_67 = arith.constant 272 : index
    %swap3A_68 = tpu.vector_load %arg17[%swap3A_67] {strides = array<i32>} : memref<3232xf32, #tpu.memory_space<vmem>>, vector<16xf32>,
    tpu.vector_store %arg17[%swap3A_67], %broadcast_in_dim3A_33 {strides = array<i32>} : memref<3232xf32, #tpu.memory_space<vmem>>, vector<16xf32>,
    %swap3A_69 = arith.constant 288 : index
    %swap3A_70 = tpu.vector_load %arg17[%swap3A_69] {strides = array<i32>} : memref<3232xf32, #tpu.memory_space<vmem>>, vector<16xf32>,
    tpu.vector_store %arg17[%swap3A_69], %broadcast_in_dim3A_33 {strides = array<i32>} : memref<3232xf32, #tpu.memory_space<vmem>>, vector<16xf32>,
    %swap3A_71 = arith.constant 304 : index
    %swap3A_72 = tpu.vector_load %arg17[%swap3A_71] {strides = array<i32>} : memref<3232xf32, #tpu.memory_space<vmem>>, vector<16xf32>,
    tpu.vector_store %arg17[%swap3A_71], %broadcast_in_dim3A_33 {strides = array<i32>} : memref<3232xf32, #tpu.memory_space<vmem>>, vector<16xf32>,
    %swap3A_73 = arith.constant 320 : index
    %swap3A_74 = tpu.vector_load %arg17[%swap3A_73] {strides = array<i32>} : memref<3232xf32, #tpu.memory_space<vmem>>, vector<16xf32>,
    tpu.vector_store %arg17[%swap3A_73], %broadcast_in_dim3A_33 {strides = array<i32>} : memref<3232xf32, #tpu.memory_space<vmem>>, vector<16xf32>,
    %swap3A_75 = arith.constant 336 : index
    %swap3A_76 = tpu.vector_load %arg17[%swap3A_75] {strides = array<i32>} : memref<3232xf32, #tpu.memory_space<vmem>>, vector<16xf32>,
    tpu.vector_store %arg17[%swap3A_75], %broadcast_in_dim3A_33 {strides = array<i32>} : memref<3232xf32, #tpu.memory_space<vmem>>, vector<16xf32>,
    %swap3A_77 = arith.constant 352 : index
    %swap3A_78 = tpu.vector_load %arg17[%swap3A_77] {strides = array<i32>} : memref<3232xf32, #tpu.memory_space<vmem>>, vector<16xf32>,
    tpu.vector_store %arg17[%swap3A_77], %broadcast_in_dim3A_33 {strides = array<i32>} : memref<3232xf32, #tpu.memory_space<vmem>>, vector<16xf32>,
    %swap3A_79 = arith.constant 368 : index
    %swap3A_80 = tpu.vector_load %arg17[%swap3A_79] {strides = array<i32>} : memref<3232xf32, #tpu.memory_space<vmem>>, vector<16xf32>,
    tpu.vector_store %arg17[%swap3A_79], %broadcast_in_dim3A_33 {strides = array<i32>} : memref<3232xf32, #tpu.memory_space<vmem>>, vector<16xf32>,
    %swap3A_81 = arith.constant 384 : index
    %swap3A_82 = tpu.vector_load %arg17[%swap3A_81] {strides = array<i32>} : memref<3232xf32, #tpu.memory_space<vmem>>, vector<16xf32>,
    tpu.vector_store %arg17[%swap3A_81], %broadcast_in_dim3A_33 {strides = array<i32>} : memref<3232xf32, #tpu.memory_space<vmem>>, vector<16xf32>,
    %swap3A_83 = arith.constant 400 : index
    %swap3A_84 = tpu.vector_load %arg17[%swap3A_83] {strides = array<i32>} : memref<3232xf32, #tpu.memory_space<vmem>>, vector<16xf32>,
    tpu.vector_store %arg17[%swap3A_83], %broadcast_in_dim3A_33 {strides = array<i32>} : memref<3232xf32, #tpu.memory_space<vmem>>, vector<16xf32>,
    %swap3A_85 = arith.constant 416 : index
    %swap3A_86 = tpu.vector_load %arg17[%swap3A_85] {strides = array<i32>} : memref<3232xf32, #tpu.memory_space<vmem>>, vector<16xf32>,
    tpu.vector_store %arg17[%swap3A_85], %broadcast_in_dim3A_33 {strides = array<i32>} : memref<3232xf32, #tpu.memory_space<vmem>>, vector<16xf32>,
    %swap3A_87 = arith.constant 432 : index
    %swap3A_88 = tpu.vector_load %arg17[%swap3A_87] {strides = array<i32>} : memref<3232xf32, #tpu.memory_space<vmem>>, vector<16xf32>,
    tpu.vector_store %arg17[%swap3A_87], %broadcast_in_dim3A_33 {strides = array<i32>} : memref<3232xf32, #tpu.memory_space<vmem>>, vector<16xf32>,
    %swap3A_89 = arith.constant 448 : index
    %swap3A_90 = tpu.vector_load %arg17[%swap3A_89] {strides = array<i32>} : memref<3232xf32, #tpu.memory_space<vmem>>, vector<16xf32>,
    tpu.vector_store %arg17[%swap3A_89], %broadcast_in_dim3A_33 {strides = array<i32>} : memref<3232xf32, #tpu.memory_space<vmem>>, vector<16xf32>,
    %swap3A_91 = arith.constant 464 : index
    %swap3A_92 = tpu.vector_load %arg17[%swap3A_91] {strides = array<i32>} : memref<3232xf32, #tpu.memory_space<vmem>>, vector<16xf32>,
    tpu.vector_store %arg17[%swap3A_91], %broadcast_in_dim3A_33 {strides = array<i32>} : memref<3232xf32, #tpu.memory_space<vmem>>, vector<16xf32>,
    %swap3A_93 = arith.constant 480 : index
    %swap3A_94 = tpu.vector_load %arg17[%swap3A_93] {strides = array<i32>} : memref<3232xf32, #tpu.memory_space<vmem>>, vector<16xf32>,
    tpu.vector_store %arg17[%swap3A_93], %broadcast_in_dim3A_33 {strides = array<i32>} : memref<3232xf32, #tpu.memory_space<vmem>>, vector<16xf32>,
    %swap3A_95 = arith.constant 496 : index
    %swap3A_96 = tpu.vector_load %arg17[%swap3A_95] {strides = array<i32>} : memref<3232xf32, #tpu.memory_space<vmem>>, vector<16xf32>,
    tpu.vector_store %arg17[%swap3A_95], %broadcast_in_dim3A_33 {strides = array<i32>} : memref<3232xf32, #tpu.memory_space<vmem>>, vector<16xf32>,
    %swap3A_97 = arith.constant 512 : index
    %swap3A_98 = tpu.vector_load %arg17[%swap3A_97] {strides = array<i32>} : memref<3232xf32, #tpu.memory_space<vmem>>, vector<16xf32>,
    tpu.vector_store %arg17[%swap3A_97], %broadcast_in_dim3A_33 {strides = array<i32>} : memref<3232xf32, #tpu.memory_space<vmem>>, vector<16xf32>,
    %swap3A_99 = arith.constant 528 : index
    %swap3A_100 = tpu.vector_load %arg17[%swap3A_99] {strides = array<i32>} : memref<3232xf32, #tpu.memory_space<vmem>>, vector<16xf32>,
    tpu.vector_store %arg17[%swap3A_99], %broadcast_in_dim3A_33 {strides = array<i32>} : memref<3232xf32, #tpu.memory_space<vmem>>, vector<16xf32>,
    %swap3A_101 = arith.constant 544 : index
    %swap3A_102 = tpu.vector_load %arg17[%swap3A_101] {strides = array<i32>} : memref<3232xf32, #tpu.memory_space<vmem>>, vector<16xf32>,
    tpu.vector_store %arg17[%swap3A_101], %broadcast_in_dim3A_33 {strides = array<i32>} : memref<3232xf32, #tpu.memory_space<vmem>>, vector<16xf32>,
    %swap3A_103 = arith.constant 560 : index
    %swap3A_104 = tpu.vector_load %arg17[%swap3A_103] {strides = array<i32>} : memref<3232xf32, #tpu.memory_space<vmem>>, vector<16xf32>,
    tpu.vector_store %arg17[%swap3A_103], %broadcast_in_dim3A_33 {strides = array<i32>} : memref<3232xf32, #tpu.memory_space<vmem>>, vector<16xf32>,
    %swap3A_105 = arith.constant 576 : index
    %swap3A_106 = tpu.vector_load %arg17[%swap3A_105] {strides = array<i32>} : memref<3232xf32, #tpu.memory_space<vmem>>, vector<16xf32>,
    tpu.vector_store %arg17[%swap3A_105], %broadcast_in_dim3A_33 {strides = array<i32>} : memref<3232xf32, #tpu.memory_space<vmem>>, vector<16xf32>,
    %swap3A_107 = arith.constant 592 : index
    %swap3A_108 = tpu.vector_load %arg17[%swap3A_107] {strides = array<i32>} : memref<3232xf32, #tpu.memory_space<vmem>>, vector<16xf32>,
    tpu.vector_store %arg17[%swap3A_107], %broadcast_in_dim3A_33 {strides = array<i32>} : memref<3232xf32, #tpu.memory_space<vmem>>, vector<16xf32>,
    %swap3A_109 = arith.constant 608 : index
    %swap3A_110 = tpu.vector_load %arg17[%swap3A_109] {strides = array<i32>} : memref<3232xf32, #tpu.memory_space<vmem>>, vector<16xf32>,
    tpu.vector_store %arg17[%swap3A_109], %broadcast_in_dim3A_33 {strides = array<i32>} : memref<3232xf32, #tpu.memory_space<vmem>>, vector<16xf32>,
    %swap3A_111 = arith.constant 624 : index
    %swap3A_112 = tpu.vector_load %arg17[%swap3A_111] {strides = array<i32>} : memref<3232xf32, #tpu.memory_space<vmem>>, vector<16xf32>,
    tpu.vector_store %arg17[%swap3A_111], %broadcast_in_dim3A_33 {strides = array<i32>} : memref<3232xf32, #tpu.memory_space<vmem>>, vector<16xf32>,
    %swap3A_113 = arith.constant 640 : index
    %swap3A_114 = tpu.vector_load %arg17[%swap3A_113] {strides = array<i32>} : memref<3232xf32, #tpu.memory_space<vmem>>, vector<16xf32>,
    tpu.vector_store %arg17[%swap3A_113], %broadcast_in_dim3A_33 {strides = array<i32>} : memref<3232xf32, #tpu.memory_space<vmem>>, vector<16xf32>,
    %swap3A_115 = arith.constant 656 : index
    %swap3A_116 = tpu.vector_load %arg17[%swap3A_115] {strides = array<i32>} : memref<3232xf32, #tpu.memory_space<vmem>>, vector<16xf32>,
    tpu.vector_store %arg17[%swap3A_115], %broadcast_in_dim3A_33 {strides = array<i32>} : memref<3232xf32, #tpu.memory_space<vmem>>, vector<16xf32>,
    %swap3A_117 = arith.constant 672 : index
    %swap3A_118 = tpu.vector_load %arg17[%swap3A_117] {strides = array<i32>} : memref<3232xf32, #tpu.memory_space<vmem>>, vector<16xf32>,
    tpu.vector_store %arg17[%swap3A_117], %broadcast_in_dim3A_33 {strides = array<i32>} : memref<3232xf32, #tpu.memory_space<vmem>>, vector<16xf32>,
    %swap3A_119 = arith.constant 688 : index
    %swap3A_120 = tpu.vector_load %arg17[%swap3A_119] {strides = array<i32>} : memref<3232xf32, #tpu.memory_space<vmem>>, vector<16xf32>,
    tpu.vector_store %arg17[%swap3A_119], %broadcast_in_dim3A_33 {strides = array<i32>} : memref<3232xf32, #tpu.memory_space<vmem>>, vector<16xf32>,
    %swap3A_121 = arith.constant 704 : index
    %swap3A_122 = tpu.vector_load %arg17[%swap3A_121] {strides = array<i32>} : memref<3232xf32, #tpu.memory_space<vmem>>, vector<16xf32>,
    tpu.vector_store %arg17[%swap3A_121], %broadcast_in_dim3A_33 {strides = array<i32>} : memref<3232xf32, #tpu.memory_space<vmem>>, vector<16xf32>,
    %swap3A_123 = arith.constant 720 : index
    %swap3A_124 = tpu.vector_load %arg17[%swap3A_123] {strides = array<i32>} : memref<3232xf32, #tpu.memory_space<vmem>>, vector<16xf32>,
    tpu.vector_store %arg17[%swap3A_123], %broadcast_in_dim3A_33 {strides = array<i32>} : memref<3232xf32, #tpu.memory_space<vmem>>, vector<16xf32>,
    %swap3A_125 = arith.constant 736 : index
    %swap3A_126 = tpu.vector_load %arg17[%swap3A_125] {strides = array<i32>} : memref<3232xf32, #tpu.memory_space<vmem>>, vector<16xf32>,
    tpu.vector_store %arg17[%swap3A_125], %broadcast_in_dim3A_33 {strides = array<i32>} : memref<3232xf32, #tpu.memory_space<vmem>>, vector<16xf32>,
    %swap3A_127 = arith.constant 752 : index
    %swap3A_128 = tpu.vector_load %arg17[%swap3A_127] {strides = array<i32>} : memref<3232xf32, #tpu.memory_space<vmem>>, vector<16xf32>,
    tpu.vector_store %arg17[%swap3A_127], %broadcast_in_dim3A_33 {strides = array<i32>} : memref<3232xf32, #tpu.memory_space<vmem>>, vector<16xf32>,
    %swap3A_129 = arith.constant 768 : index
    %swap3A_130 = tpu.vector_load %arg17[%swap3A_129] {strides = array<i32>} : memref<3232xf32, #tpu.memory_space<vmem>>, vector<16xf32>,
    tpu.vector_store %arg17[%swap3A_129], %broadcast_in_dim3A_33 {strides = array<i32>} : memref<3232xf32, #tpu.memory_space<vmem>>, vector<16xf32>,
    %swap3A_131 = arith.constant 784 : index
    %swap3A_132 = tpu.vector_load %arg17[%swap3A_131] {strides = array<i32>} : memref<3232xf32, #tpu.memory_space<vmem>>, vector<16xf32>,
    tpu.vector_store %arg17[%swap3A_131], %broadcast_in_dim3A_33 {strides = array<i32>} : memref<3232xf32, #tpu.memory_space<vmem>>, vector<16xf32>,
    %swap3A_133 = arith.constant 800 : index
    %swap3A_134 = tpu.vector_load %arg17[%swap3A_133] {strides = array<i32>} : memref<3232xf32, #tpu.memory_space<vmem>>, vector<16xf32>,
    tpu.vector_store %arg17[%swap3A_133], %broadcast_in_dim3A_33 {strides = array<i32>} : memref<3232xf32, #tpu.memory_space<vmem>>, vector<16xf32>,
    %swap3A_135 = arith.constant 816 : index
    %swap3A_136 = tpu.vector_load %arg17[%swap3A_135] {strides = array<i32>} : memref<3232xf32, #tpu.memory_space<vmem>>, vector<16xf32>,
    tpu.vector_store %arg17[%swap3A_135], %broadcast_in_dim3A_33 {strides = array<i32>} : memref<3232xf32, #tpu.memory_space<vmem>>, vector<16xf32>,
    %swap3A_137 = arith.constant 832 : index
    %swap3A_138 = tpu.vector_load %arg17[%swap3A_137] {strides = array<i32>} : memref<3232xf32, #tpu.memory_space<vmem>>, vector<16xf32>,
    tpu.vector_store %arg17[%swap3A_137], %broadcast_in_dim3A_33 {strides = array<i32>} : memref<3232xf32, #tpu.memory_space<vmem>>, vector<16xf32>,
    %swap3A_139 = arith.constant 848 : index
    %swap3A_140 = tpu.vector_load %arg17[%swap3A_139] {strides = array<i32>} : memref<3232xf32, #tpu.memory_space<vmem>>, vector<16xf32>,
    tpu.vector_store %arg17[%swap3A_139], %broadcast_in_dim3A_33 {strides = array<i32>} : memref<3232xf32, #tpu.memory_space<vmem>>, vector<16xf32>,
    %swap3A_141 = arith.constant 864 : index
    %swap3A_142 = tpu.vector_load %arg17[%swap3A_141] {strides = array<i32>} : memref<3232xf32, #tpu.memory_space<vmem>>, vector<16xf32>,
    tpu.vector_store %arg17[%swap3A_141], %broadcast_in_dim3A_33 {strides = array<i32>} : memref<3232xf32, #tpu.memory_space<vmem>>, vector<16xf32>,
    %swap3A_143 = arith.constant 880 : index
    %swap3A_144 = tpu.vector_load %arg17[%swap3A_143] {strides = array<i32>} : memref<3232xf32, #tpu.memory_space<vmem>>, vector<16xf32>,
    tpu.vector_store %arg17[%swap3A_143], %broadcast_in_dim3A_33 {strides = array<i32>} : memref<3232xf32, #tpu.memory_space<vmem>>, vector<16xf32>,
    %swap3A_145 = arith.constant 896 : index
    %swap3A_146 = tpu.vector_load %arg17[%swap3A_145] {strides = array<i32>} : memref<3232xf32, #tpu.memory_space<vmem>>, vector<16xf32>,
    tpu.vector_store %arg17[%swap3A_145], %broadcast_in_dim3A_33 {strides = array<i32>} : memref<3232xf32, #tpu.memory_space<vmem>>, vector<16xf32>,
    %swap3A_147 = arith.constant 912 : index
    %swap3A_148 = tpu.vector_load %arg17[%swap3A_147] {strides = array<i32>} : memref<3232xf32, #tpu.memory_space<vmem>>, vector<16xf32>,
    tpu.vector_store %arg17[%swap3A_147], %broadcast_in_dim3A_33 {strides = array<i32>} : memref<3232xf32, #tpu.memory_space<vmem>>, vector<16xf32>,
    %swap3A_149 = arith.constant 928 : index
    %swap3A_150 = tpu.vector_load %arg17[%swap3A_149] {strides = array<i32>} : memref<3232xf32, #tpu.memory_space<vmem>>, vector<16xf32>,
    tpu.vector_store %arg17[%swap3A_149], %broadcast_in_dim3A_33 {strides = array<i32>} : memref<3232xf32, #tpu.memory_space<vmem>>, vector<16xf32>,
    %swap3A_151 = arith.constant 944 : index
    %swap3A_152 = tpu.vector_load %arg17[%swap3A_151] {strides = array<i32>} : memref<3232xf32, #tpu.memory_space<vmem>>, vector<16xf32>,
    tpu.vector_store %arg17[%swap3A_151], %broadcast_in_dim3A_33 {strides = array<i32>} : memref<3232xf32, #tpu.memory_space<vmem>>, vector<16xf32>,
    %swap3A_153 = arith.constant 960 : index
    %swap3A_154 = tpu.vector_load %arg17[%swap3A_153] {strides = array<i32>} : memref<3232xf32, #tpu.memory_space<vmem>>, vector<16xf32>,
    tpu.vector_store %arg17[%swap3A_153], %broadcast_in_dim3A_33 {strides = array<i32>} : memref<3232xf32, #tpu.memory_space<vmem>>, vector<16xf32>,
    %swap3A_155 = arith.constant 976 : index
    %swap3A_156 = tpu.vector_load %arg17[%swap3A_155] {strides = array<i32>} : memref<3232xf32, #tpu.memory_space<vmem>>, vector<16xf32>,
    tpu.vector_store %arg17[%swap3A_155], %broadcast_in_dim3A_33 {strides = array<i32>} : memref<3232xf32, #tpu.memory_space<vmem>>, vector<16xf32>,
    %swap3A_157 = arith.constant 992 : index
    %swap3A_158 = tpu.vector_load %arg17[%swap3A_157] {strides = array<i32>} : memref<3232xf32, #tpu.memory_space<vmem>>, vector<16xf32>,
    tpu.vector_store %arg17[%swap3A_157], %broadcast_in_dim3A_33 {strides = array<i32>} : memref<3232xf32, #tpu.memory_space<vmem>>, vector<16xf32>,
    %swap3A_159 = arith.constant 1008 : index
    %swap3A_160 = tpu.vector_load %arg17[%swap3A_159] {strides = array<i32>} : memref<3232xf32, #tpu.memory_space<vmem>>, vector<16xf32>,
    tpu.vector_store %arg17[%swap3A_159], %broadcast_in_dim3A_33 {strides = array<i32>} : memref<3232xf32, #tpu.memory_space<vmem>>, vector<16xf32>,
    %swap3A_161 = arith.constant 1024 : index
    %swap3A_162 = tpu.vector_load %arg17[%swap3A_161] {strides = array<i32>} : memref<3232xf32, #tpu.memory_space<vmem>>, vector<16xf32>,
    tpu.vector_store %arg17[%swap3A_161], %broadcast_in_dim3A_33 {strides = array<i32>} : memref<3232xf32, #tpu.memory_space<vmem>>, vector<16xf32>,
    %swap3A_163 = arith.constant 1040 : index
    %swap3A_164 = tpu.vector_load %arg17[%swap3A_163] {strides = array<i32>} : memref<3232xf32, #tpu.memory_space<vmem>>, vector<16xf32>,
    tpu.vector_store %arg17[%swap3A_163], %broadcast_in_dim3A_33 {strides = array<i32>} : memref<3232xf32, #tpu.memory_space<vmem>>, vector<16xf32>,
    %swap3A_165 = arith.constant 1056 : index
    %swap3A_166 = tpu.vector_load %arg17[%swap3A_165] {strides = array<i32>} : memref<3232xf32, #tpu.memory_space<vmem>>, vector<16xf32>,
    tpu.vector_store %arg17[%swap3A_165], %broadcast_in_dim3A_33 {strides = array<i32>} : memref<3232xf32, #tpu.memory_space<vmem>>, vector<16xf32>,
    %swap3A_167 = arith.constant 1072 : index
    %swap3A_168 = tpu.vector_load %arg17[%swap3A_167] {strides = array<i32>} : memref<3232xf32, #tpu.memory_space<vmem>>, vector<16xf32>,
    tpu.vector_store %arg17[%swap3A_167], %broadcast_in_dim3A_33 {strides = array<i32>} : memref<3232xf32, #tpu.memory_space<vmem>>, vector<16xf32>,
    %swap3A_169 = arith.constant 1088 : index
    %swap3A_170 = tpu.vector_load %arg17[%swap3A_169] {strides = array<i32>} : memref<3232xf32, #tpu.memory_space<vmem>>, vector<16xf32>,
    tpu.vector_store %arg17[%swap3A_169], %broadcast_in_dim3A_33 {strides = array<i32>} : memref<3232xf32, #tpu.memory_space<vmem>>, vector<16xf32>,
    %swap3A_171 = arith.constant 1104 : index
    %swap3A_172 = tpu.vector_load %arg17[%swap3A_171] {strides = array<i32>} : memref<3232xf32, #tpu.memory_space<vmem>>, vector<16xf32>,
    tpu.vector_store %arg17[%swap3A_171], %broadcast_in_dim3A_33 {strides = array<i32>} : memref<3232xf32, #tpu.memory_space<vmem>>, vector<16xf32>,
    %swap3A_173 = arith.constant 1120 : index
    %swap3A_174 = tpu.vector_load %arg17[%swap3A_173] {strides = array<i32>} : memref<3232xf32, #tpu.memory_space<vmem>>, vector<16xf32>,
    tpu.vector_store %arg17[%swap3A_173], %broadcast_in_dim3A_33 {strides = array<i32>} : memref<3232xf32, #tpu.memory_space<vmem>>, vector<16xf32>,
    %swap3A_175 = arith.constant 1136 : index
    %swap3A_176 = tpu.vector_load %arg17[%swap3A_175] {strides = array<i32>} : memref<3232xf32, #tpu.memory_space<vmem>>, vector<16xf32>,
    tpu.vector_store %arg17[%swap3A_175], %broadcast_in_dim3A_33 {strides = array<i32>} : memref<3232xf32, #tpu.memory_space<vmem>>, vector<16xf32>,
    %swap3A_177 = arith.constant 1152 : index
    %swap3A_178 = tpu.vector_load %arg17[%swap3A_177] {strides = array<i32>} : memref<3232xf32, #tpu.memory_space<vmem>>, vector<16xf32>,
    tpu.vector_store %arg17[%swap3A_177], %broadcast_in_dim3A_33 {strides = array<i32>} : memref<3232xf32, #tpu.memory_space<vmem>>, vector<16xf32>,
    %swap3A_179 = arith.constant 1168 : index
    %swap3A_180 = tpu.vector_load %arg17[%swap3A_179] {strides = array<i32>} : memref<3232xf32, #tpu.memory_space<vmem>>, vector<16xf32>,
    tpu.vector_store %arg17[%swap3A_179], %broadcast_in_dim3A_33 {strides = array<i32>} : memref<3232xf32, #tpu.memory_space<vmem>>, vector<16xf32>,
    %swap3A_181 = arith.constant 1184 : index
    %swap3A_182 = tpu.vector_load %arg17[%swap3A_181] {strides = array<i32>} : memref<3232xf32, #tpu.memory_space<vmem>>, vector<16xf32>,
    tpu.vector_store %arg17[%swap3A_181], %broadcast_in_dim3A_33 {strides = array<i32>} : memref<3232xf32, #tpu.memory_space<vmem>>, vector<16xf32>,
    %swap3A_183 = arith.constant 1200 : index
    %swap3A_184 = tpu.vector_load %arg17[%swap3A_183] {strides = array<i32>} : memref<3232xf32, #tpu.memory_space<vmem>>, vector<16xf32>,
    tpu.vector_store %arg17[%swap3A_183], %broadcast_in_dim3A_33 {strides = array<i32>} : memref<3232xf32, #tpu.memory_space<vmem>>, vector<16xf32>,
    %swap3A_185 = arith.constant 1216 : index
    %swap3A_186 = tpu.vector_load %arg17[%swap3A_185] {strides = array<i32>} : memref<3232xf32, #tpu.memory_space<vmem>>, vector<16xf32>,
    tpu.vector_store %arg17[%swap3A_185], %broadcast_in_dim3A_33 {strides = array<i32>} : memref<3232xf32, #tpu.memory_space<vmem>>, vector<16xf32>,
    %swap3A_187 = arith.constant 1232 : index
    %swap3A_188 = tpu.vector_load %arg17[%swap3A_187] {strides = array<i32>} : memref<3232xf32, #tpu.memory_space<vmem>>, vector<16xf32>,
    tpu.vector_store %arg17[%swap3A_187], %broadcast_in_dim3A_33 {strides = array<i32>} : memref<3232xf32, #tpu.memory_space<vmem>>, vector<16xf32>,
    %swap3A_189 = arith.constant 1248 : index
    %swap3A_190 = tpu.vector_load %arg17[%swap3A_189] {strides = array<i32>} : memref<3232xf32, #tpu.memory_space<vmem>>, vector<16xf32>,
    tpu.vector_store %arg17[%swap3A_189], %broadcast_in_dim3A_33 {strides = array<i32>} : memref<3232xf32, #tpu.memory_space<vmem>>, vector<16xf32>,
    %swap3A_191 = arith.constant 1264 : index
    %swap3A_192 = tpu.vector_load %arg17[%swap3A_191] {strides = array<i32>} : memref<3232xf32, #tpu.memory_space<vmem>>, vector<16xf32>,
    tpu.vector_store %arg17[%swap3A_191], %broadcast_in_dim3A_33 {strides = array<i32>} : memref<3232xf32, #tpu.memory_space<vmem>>, vector<16xf32>,
    %swap3A_193 = arith.constant 1280 : index
    %swap3A_194 = tpu.vector_load %arg17[%swap3A_193] {strides = array<i32>} : memref<3232xf32, #tpu.memory_space<vmem>>, vector<16xf32>,
    tpu.vector_store %arg17[%swap3A_193], %broadcast_in_dim3A_33 {strides = array<i32>} : memref<3232xf32, #tpu.memory_space<vmem>>, vector<16xf32>,
    %swap3A_195 = arith.constant 1296 : index
    %swap3A_196 = tpu.vector_load %arg17[%swap3A_195] {strides = array<i32>} : memref<3232xf32, #tpu.memory_space<vmem>>, vector<16xf32>,
    tpu.vector_store %arg17[%swap3A_195], %broadcast_in_dim3A_33 {strides = array<i32>} : memref<3232xf32, #tpu.memory_space<vmem>>, vector<16xf32>,
    %swap3A_197 = arith.constant 1312 : index
    %swap3A_198 = tpu.vector_load %arg17[%swap3A_197] {strides = array<i32>} : memref<3232xf32, #tpu.memory_space<vmem>>, vector<16xf32>,
    tpu.vector_store %arg17[%swap3A_197], %broadcast_in_dim3A_33 {strides = array<i32>} : memref<3232xf32, #tpu.memory_space<vmem>>, vector<16xf32>,
    %swap3A_199 = arith.constant 1328 : index
    %swap3A_200 = tpu.vector_load %arg17[%swap3A_199] {strides = array<i32>} : memref<3232xf32, #tpu.memory_space<vmem>>, vector<16xf32>,
    tpu.vector_store %arg17[%swap3A_199], %broadcast_in_dim3A_33 {strides = array<i32>} : memref<3232xf32, #tpu.memory_space<vmem>>, vector<16xf32>,
    %swap3A_201 = arith.constant 1344 : index
    %swap3A_202 = tpu.vector_load %arg17[%swap3A_201] {strides = array<i32>} : memref<3232xf32, #tpu.memory_space<vmem>>, vector<16xf32>,
    tpu.vector_store %arg17[%swap3A_201], %broadcast_in_dim3A_33 {strides = array<i32>} : memref<3232xf32, #tpu.memory_space<vmem>>, vector<16xf32>,
    %swap3A_203 = arith.constant 1360 : index
    %swap3A_204 = tpu.vector_load %arg17[%swap3A_203] {strides = array<i32>} : memref<3232xf32, #tpu.memory_space<vmem>>, vector<16xf32>,
    tpu.vector_store %arg17[%swap3A_203], %broadcast_in_dim3A_33 {strides = array<i32>} : memref<3232xf32, #tpu.memory_space<vmem>>, vector<16xf32>,
    %swap3A_205 = arith.constant 1376 : index
    %swap3A_206 = tpu.vector_load %arg17[%swap3A_205] {strides = array<i32>} : memref<3232xf32, #tpu.memory_space<vmem>>, vector<16xf32>,
    tpu.vector_store %arg17[%swap3A_205], %broadcast_in_dim3A_33 {strides = array<i32>} : memref<3232xf32, #tpu.memory_space<vmem>>, vector<16xf32>,
    %swap3A_207 = arith.constant 1392 : index
    %swap3A_208 = tpu.vector_load %arg17[%swap3A_207] {strides = array<i32>} : memref<3232xf32, #tpu.memory_space<vmem>>, vector<16xf32>,
    tpu.vector_store %arg17[%swap3A_207], %broadcast_in_dim3A_33 {strides = array<i32>} : memref<3232xf32, #tpu.memory_space<vmem>>, vector<16xf32>,
    %swap3A_209 = arith.constant 1408 : index
    %swap3A_210 = tpu.vector_load %arg17[%swap3A_209] {strides = array<i32>} : memref<3232xf32, #tpu.memory_space<vmem>>, vector<16xf32>,
    tpu.vector_store %arg17[%swap3A_209], %broadcast_in_dim3A_33 {strides = array<i32>} : memref<3232xf32, #tpu.memory_space<vmem>>, vector<16xf32>,
    %swap3A_211 = arith.constant 1424 : index
    %swap3A_212 = tpu.vector_load %arg17[%swap3A_211] {strides = array<i32>} : memref<3232xf32, #tpu.memory_space<vmem>>, vector<16xf32>,
    tpu.vector_store %arg17[%swap3A_211], %broadcast_in_dim3A_33 {strides = array<i32>} : memref<3232xf32, #tpu.memory_space<vmem>>, vector<16xf32>,
    %swap3A_213 = arith.constant 1440 : index
    %swap3A_214 = tpu.vector_load %arg17[%swap3A_213] {strides = array<i32>} : memref<3232xf32, #tpu.memory_space<vmem>>, vector<16xf32>,
    tpu.vector_store %arg17[%swap3A_213], %broadcast_in_dim3A_33 {strides = array<i32>} : memref<3232xf32, #tpu.memory_space<vmem>>, vector<16xf32>,
    %swap3A_215 = arith.constant 1456 : index
    %swap3A_216 = tpu.vector_load %arg17[%swap3A_215] {strides = array<i32>} : memref<3232xf32, #tpu.memory_space<vmem>>, vector<16xf32>,
    tpu.vector_store %arg17[%swap3A_215], %broadcast_in_dim3A_33 {strides = array<i32>} : memref<3232xf32, #tpu.memory_space<vmem>>, vector<16xf32>,
    %swap3A_217 = arith.constant 1472 : index
    %swap3A_218 = tpu.vector_load %arg17[%swap3A_217] {strides = array<i32>} : memref<3232xf32, #tpu.memory_space<vmem>>, vector<16xf32>,
    tpu.vector_store %arg17[%swap3A_217], %broadcast_in_dim3A_33 {strides = array<i32>} : memref<3232xf32, #tpu.memory_space<vmem>>, vector<16xf32>,
    %swap3A_219 = arith.constant 1488 : index
    %swap3A_220 = tpu.vector_load %arg17[%swap3A_219] {strides = array<i32>} : memref<3232xf32, #tpu.memory_space<vmem>>, vector<16xf32>,
    tpu.vector_store %arg17[%swap3A_219], %broadcast_in_dim3A_33 {strides = array<i32>} : memref<3232xf32, #tpu.memory_space<vmem>>, vector<16xf32>,
    %swap3A_221 = arith.constant 1504 : index
    %swap3A_222 = tpu.vector_load %arg17[%swap3A_221] {strides = array<i32>} : memref<3232xf32, #tpu.memory_space<vmem>>, vector<16xf32>,
    tpu.vector_store %arg17[%swap3A_221], %broadcast_in_dim3A_33 {strides = array<i32>} : memref<3232xf32, #tpu.memory_space<vmem>>, vector<16xf32>,
    %swap3A_223 = arith.constant 1520 : index
    %swap3A_224 = tpu.vector_load %arg17[%swap3A_223] {strides = array<i32>} : memref<3232xf32, #tpu.memory_space<vmem>>, vector<16xf32>,
    tpu.vector_store %arg17[%swap3A_223], %broadcast_in_dim3A_33 {strides = array<i32>} : memref<3232xf32, #tpu.memory_space<vmem>>, vector<16xf32>,
    %swap3A_225 = arith.constant 1536 : index
    %swap3A_226 = tpu.vector_load %arg17[%swap3A_225] {strides = array<i32>} : memref<3232xf32, #tpu.memory_space<vmem>>, vector<16xf32>,
    tpu.vector_store %arg17[%swap3A_225], %broadcast_in_dim3A_33 {strides = array<i32>} : memref<3232xf32, #tpu.memory_space<vmem>>, vector<16xf32>,
    %swap3A_227 = arith.constant 1552 : index
    %swap3A_228 = tpu.vector_load %arg17[%swap3A_227] {strides = array<i32>} : memref<3232xf32, #tpu.memory_space<vmem>>, vector<16xf32>,
    tpu.vector_store %arg17[%swap3A_227], %broadcast_in_dim3A_33 {strides = array<i32>} : memref<3232xf32, #tpu.memory_space<vmem>>, vector<16xf32>,
    %swap3A_229 = arith.constant 1568 : index
    %swap3A_230 = tpu.vector_load %arg17[%swap3A_229] {strides = array<i32>} : memref<3232xf32, #tpu.memory_space<vmem>>, vector<16xf32>,
    tpu.vector_store %arg17[%swap3A_229], %broadcast_in_dim3A_33 {strides = array<i32>} : memref<3232xf32, #tpu.memory_space<vmem>>, vector<16xf32>,
    %swap3A_231 = arith.constant 1584 : index
    %swap3A_232 = tpu.vector_load %arg17[%swap3A_231] {strides = array<i32>} : memref<3232xf32, #tpu.memory_space<vmem>>, vector<16xf32>,
    tpu.vector_store %arg17[%swap3A_231], %broadcast_in_dim3A_33 {strides = array<i32>} : memref<3232xf32, #tpu.memory_space<vmem>>, vector<16xf32>,
    %swap3A_233 = arith.constant 1600 : index
    %swap3A_234 = tpu.vector_load %arg17[%swap3A_233] {strides = array<i32>} : memref<3232xf32, #tpu.memory_space<vmem>>, vector<16xf32>,
    tpu.vector_store %arg17[%swap3A_233], %broadcast_in_dim3A_33 {strides = array<i32>} : memref<3232xf32, #tpu.memory_space<vmem>>, vector<16xf32>,
    %swap3A_235 = arith.constant 1616 : index
    %swap3A_236 = tpu.vector_load %arg17[%swap3A_235] {strides = array<i32>} : memref<3232xf32, #tpu.memory_space<vmem>>, vector<16xf32>,
    tpu.vector_store %arg17[%swap3A_235], %broadcast_in_dim3A_33 {strides = array<i32>} : memref<3232xf32, #tpu.memory_space<vmem>>, vector<16xf32>,
    %swap3A_237 = arith.constant 1632 : index
    %swap3A_238 = tpu.vector_load %arg17[%swap3A_237] {strides = array<i32>} : memref<3232xf32, #tpu.memory_space<vmem>>, vector<16xf32>,
    tpu.vector_store %arg17[%swap3A_237], %broadcast_in_dim3A_33 {strides = array<i32>} : memref<3232xf32, #tpu.memory_space<vmem>>, vector<16xf32>,
    %swap3A_239 = arith.constant 1648 : index
    %swap3A_240 = tpu.vector_load %arg17[%swap3A_239] {strides = array<i32>} : memref<3232xf32, #tpu.memory_space<vmem>>, vector<16xf32>,
    tpu.vector_store %arg17[%swap3A_239], %broadcast_in_dim3A_33 {strides = array<i32>} : memref<3232xf32, #tpu.memory_space<vmem>>, vector<16xf32>,
    %swap3A_241 = arith.constant 1664 : index
    %swap3A_242 = tpu.vector_load %arg17[%swap3A_241] {strides = array<i32>} : memref<3232xf32, #tpu.memory_space<vmem>>, vector<16xf32>,
    tpu.vector_store %arg17[%swap3A_241], %broadcast_in_dim3A_33 {strides = array<i32>} : memref<3232xf32, #tpu.memory_space<vmem>>, vector<16xf32>,
    %swap3A_243 = arith.constant 1680 : index
    %swap3A_244 = tpu.vector_load %arg17[%swap3A_243] {strides = array<i32>} : memref<3232xf32, #tpu.memory_space<vmem>>, vector<16xf32>,
    tpu.vector_store %arg17[%swap3A_243], %broadcast_in_dim3A_33 {strides = array<i32>} : memref<3232xf32, #tpu.memory_space<vmem>>, vector<16xf32>,
    %swap3A_245 = arith.constant 1696 : index
    %swap3A_246 = tpu.vector_load %arg17[%swap3A_245] {strides = array<i32>} : memref<3232xf32, #tpu.memory_space<vmem>>, vector<16xf32>,
    tpu.vector_store %arg17[%swap3A_245], %broadcast_in_dim3A_33 {strides = array<i32>} : memref<3232xf32, #tpu.memory_space<vmem>>, vector<16xf32>,
    %swap3A_247 = arith.constant 1712 : index
    %swap3A_248 = tpu.vector_load %arg17[%swap3A_247] {strides = array<i32>} : memref<3232xf32, #tpu.memory_space<vmem>>, vector<16xf32>,
    tpu.vector_store %arg17[%swap3A_247], %broadcast_in_dim3A_33 {strides = array<i32>} : memref<3232xf32, #tpu.memory_space<vmem>>, vector<16xf32>,
    %swap3A_249 = arith.constant 1728 : index
    %swap3A_250 = tpu.vector_load %arg17[%swap3A_249] {strides = array<i32>} : memref<3232xf32, #tpu.memory_space<vmem>>, vector<16xf32>,
    tpu.vector_store %arg17[%swap3A_249], %broadcast_in_dim3A_33 {strides = array<i32>} : memref<3232xf32, #tpu.memory_space<vmem>>, vector<16xf32>,
    %swap3A_251 = arith.constant 1744 : index
    %swap3A_252 = tpu.vector_load %arg17[%swap3A_251] {strides = array<i32>} : memref<3232xf32, #tpu.memory_space<vmem>>, vector<16xf32>,
    tpu.vector_store %arg17[%swap3A_251], %broadcast_in_dim3A_33 {strides = array<i32>} : memref<3232xf32, #tpu.memory_space<vmem>>, vector<16xf32>,
    %swap3A_253 = arith.constant 1760 : index
    %swap3A_254 = tpu.vector_load %arg17[%swap3A_253] {strides = array<i32>} : memref<3232xf32, #tpu.memory_space<vmem>>, vector<16xf32>,
    tpu.vector_store %arg17[%swap3A_253], %broadcast_in_dim3A_33 {strides = array<i32>} : memref<3232xf32, #tpu.memory_space<vmem>>, vector<16xf32>,
    %swap3A_255 = arith.constant 1776 : index
    %swap3A_256 = tpu.vector_load %arg17[%swap3A_255] {strides = array<i32>} : memref<3232xf32, #tpu.memory_space<vmem>>, vector<16xf32>,
    tpu.vector_store %arg17[%swap3A_255], %broadcast_in_dim3A_33 {strides = array<i32>} : memref<3232xf32, #tpu.memory_space<vmem>>, vector<16xf32>,
    %swap3A_257 = arith.constant 1792 : index
    %swap3A_258 = tpu.vector_load %arg17[%swap3A_257] {strides = array<i32>} : memref<3232xf32, #tpu.memory_space<vmem>>, vector<16xf32>,
    tpu.vector_store %arg17[%swap3A_257], %broadcast_in_dim3A_33 {strides = array<i32>} : memref<3232xf32, #tpu.memory_space<vmem>>, vector<16xf32>,
    %swap3A_259 = arith.constant 1808 : index
    %swap3A_260 = tpu.vector_load %arg17[%swap3A_259] {strides = array<i32>} : memref<3232xf32, #tpu.memory_space<vmem>>, vector<16xf32>,
    tpu.vector_store %arg17[%swap3A_259], %broadcast_in_dim3A_33 {strides = array<i32>} : memref<3232xf32, #tpu.memory_space<vmem>>, vector<16xf32>,
    %swap3A_261 = arith.constant 1824 : index
    %swap3A_262 = tpu.vector_load %arg17[%swap3A_261] {strides = array<i32>} : memref<3232xf32, #tpu.memory_space<vmem>>, vector<16xf32>,
    tpu.vector_store %arg17[%swap3A_261], %broadcast_in_dim3A_33 {strides = array<i32>} : memref<3232xf32, #tpu.memory_space<vmem>>, vector<16xf32>,
    %swap3A_263 = arith.constant 1840 : index
    %swap3A_264 = tpu.vector_load %arg17[%swap3A_263] {strides = array<i32>} : memref<3232xf32, #tpu.memory_space<vmem>>, vector<16xf32>,
    tpu.vector_store %arg17[%swap3A_263], %broadcast_in_dim3A_33 {strides = array<i32>} : memref<3232xf32, #tpu.memory_space<vmem>>, vector<16xf32>,
    %swap3A_265 = arith.constant 1856 : index
    %swap3A_266 = tpu.vector_load %arg17[%swap3A_265] {strides = array<i32>} : memref<3232xf32, #tpu.memory_space<vmem>>, vector<16xf32>,
    tpu.vector_store %arg17[%swap3A_265], %broadcast_in_dim3A_33 {strides = array<i32>} : memref<3232xf32, #tpu.memory_space<vmem>>, vector<16xf32>,
    %swap3A_267 = arith.constant 1872 : index
    %swap3A_268 = tpu.vector_load %arg17[%swap3A_267] {strides = array<i32>} : memref<3232xf32, #tpu.memory_space<vmem>>, vector<16xf32>,
    tpu.vector_store %arg17[%swap3A_267], %broadcast_in_dim3A_33 {strides = array<i32>} : memref<3232xf32, #tpu.memory_space<vmem>>, vector<16xf32>,
    %swap3A_269 = arith.constant 1888 : index
    %swap3A_270 = tpu.vector_load %arg17[%swap3A_269] {strides = array<i32>} : memref<3232xf32, #tpu.memory_space<vmem>>, vector<16xf32>,
    tpu.vector_store %arg17[%swap3A_269], %broadcast_in_dim3A_33 {strides = array<i32>} : memref<3232xf32, #tpu.memory_space<vmem>>, vector<16xf32>,
    %swap3A_271 = arith.constant 1904 : index
    %swap3A_272 = tpu.vector_load %arg17[%swap3A_271] {strides = array<i32>} : memref<3232xf32, #tpu.memory_space<vmem>>, vector<16xf32>,
    tpu.vector_store %arg17[%swap3A_271], %broadcast_in_dim3A_33 {strides = array<i32>} : memref<3232xf32, #tpu.memory_space<vmem>>, vector<16xf32>,
    %swap3A_273 = arith.constant 1920 : index
    %swap3A_274 = tpu.vector_load %arg17[%swap3A_273] {strides = array<i32>} : memref<3232xf32, #tpu.memory_space<vmem>>, vector<16xf32>,
    tpu.vector_store %arg17[%swap3A_273], %broadcast_in_dim3A_33 {strides = array<i32>} : memref<3232xf32, #tpu.memory_space<vmem>>, vector<16xf32>,
    %swap3A_275 = arith.constant 1936 : index
    %swap3A_276 = tpu.vector_load %arg17[%swap3A_275] {strides = array<i32>} : memref<3232xf32, #tpu.memory_space<vmem>>, vector<16xf32>,
    tpu.vector_store %arg17[%swap3A_275], %broadcast_in_dim3A_33 {strides = array<i32>} : memref<3232xf32, #tpu.memory_space<vmem>>, vector<16xf32>,
    %swap3A_277 = arith.constant 1952 : index
    %swap3A_278 = tpu.vector_load %arg17[%swap3A_277] {strides = array<i32>} : memref<3232xf32, #tpu.memory_space<vmem>>, vector<16xf32>,
    tpu.vector_store %arg17[%swap3A_277], %broadcast_in_dim3A_33 {strides = array<i32>} : memref<3232xf32, #tpu.memory_space<vmem>>, vector<16xf32>,
    %swap3A_279 = arith.constant 1968 : index
    %swap3A_280 = tpu.vector_load %arg17[%swap3A_279] {strides = array<i32>} : memref<3232xf32, #tpu.memory_space<vmem>>, vector<16xf32>,
    tpu.vector_store %arg17[%swap3A_279], %broadcast_in_dim3A_33 {strides = array<i32>} : memref<3232xf32, #tpu.memory_space<vmem>>, vector<16xf32>,
    %swap3A_281 = arith.constant 1984 : index
    %swap3A_282 = tpu.vector_load %arg17[%swap3A_281] {strides = array<i32>} : memref<3232xf32, #tpu.memory_space<vmem>>, vector<16xf32>,
    tpu.vector_store %arg17[%swap3A_281], %broadcast_in_dim3A_33 {strides = array<i32>} : memref<3232xf32, #tpu.memory_space<vmem>>, vector<16xf32>,
    %swap3A_283 = arith.constant 2000 : index
    %swap3A_284 = tpu.vector_load %arg17[%swap3A_283] {strides = array<i32>} : memref<3232xf32, #tpu.memory_space<vmem>>, vector<16xf32>,
    tpu.vector_store %arg17[%swap3A_283], %broadcast_in_dim3A_33 {strides = array<i32>} : memref<3232xf32, #tpu.memory_space<vmem>>, vector<16xf32>,
    %swap3A_285 = arith.constant 2016 : index
    %swap3A_286 = tpu.vector_load %arg17[%swap3A_285] {strides = array<i32>} : memref<3232xf32, #tpu.memory_space<vmem>>, vector<16xf32>,
    tpu.vector_store %arg17[%swap3A_285], %broadcast_in_dim3A_33 {strides = array<i32>} : memref<3232xf32, #tpu.memory_space<vmem>>, vector<16xf32>,
    %swap3A_287 = arith.constant 2032 : index
    %swap3A_288 = tpu.vector_load %arg17[%swap3A_287] {strides = array<i32>} : memref<3232xf32, #tpu.memory_space<vmem>>, vector<16xf32>,
    tpu.vector_store %arg17[%swap3A_287], %broadcast_in_dim3A_33 {strides = array<i32>} : memref<3232xf32, #tpu.memory_space<vmem>>, vector<16xf32>,
    %swap3A_289 = arith.constant 2048 : index
    %swap3A_290 = tpu.vector_load %arg17[%swap3A_289] {strides = array<i32>} : memref<3232xf32, #tpu.memory_space<vmem>>, vector<16xf32>,
    tpu.vector_store %arg17[%swap3A_289], %broadcast_in_dim3A_33 {strides = array<i32>} : memref<3232xf32, #tpu.memory_space<vmem>>, vector<16xf32>,
    %swap3A_291 = arith.constant 2064 : index
    %swap3A_292 = tpu.vector_load %arg17[%swap3A_291] {strides = array<i32>} : memref<3232xf32, #tpu.memory_space<vmem>>, vector<16xf32>,
    tpu.vector_store %arg17[%swap3A_291], %broadcast_in_dim3A_33 {strides = array<i32>} : memref<3232xf32, #tpu.memory_space<vmem>>, vector<16xf32>,
    %swap3A_293 = arith.constant 2080 : index
    %swap3A_294 = tpu.vector_load %arg17[%swap3A_293] {strides = array<i32>} : memref<3232xf32, #tpu.memory_space<vmem>>, vector<16xf32>,
    tpu.vector_store %arg17[%swap3A_293], %broadcast_in_dim3A_33 {strides = array<i32>} : memref<3232xf32, #tpu.memory_space<vmem>>, vector<16xf32>,
    %swap3A_295 = arith.constant 2096 : index
    %swap3A_296 = tpu.vector_load %arg17[%swap3A_295] {strides = array<i32>} : memref<3232xf32, #tpu.memory_space<vmem>>, vector<16xf32>,
    tpu.vector_store %arg17[%swap3A_295], %broadcast_in_dim3A_33 {strides = array<i32>} : memref<3232xf32, #tpu.memory_space<vmem>>, vector<16xf32>,
    %swap3A_297 = arith.constant 2112 : index
    %swap3A_298 = tpu.vector_load %arg17[%swap3A_297] {strides = array<i32>} : memref<3232xf32, #tpu.memory_space<vmem>>, vector<16xf32>,
    tpu.vector_store %arg17[%swap3A_297], %broadcast_in_dim3A_33 {strides = array<i32>} : memref<3232xf32, #tpu.memory_space<vmem>>, vector<16xf32>,
    %swap3A_299 = arith.constant 2128 : index
    %swap3A_300 = tpu.vector_load %arg17[%swap3A_299] {strides = array<i32>} : memref<3232xf32, #tpu.memory_space<vmem>>, vector<16xf32>,
    tpu.vector_store %arg17[%swap3A_299], %broadcast_in_dim3A_33 {strides = array<i32>} : memref<3232xf32, #tpu.memory_space<vmem>>, vector<16xf32>,
    %swap3A_301 = arith.constant 2144 : index
    %swap3A_302 = tpu.vector_load %arg17[%swap3A_301] {strides = array<i32>} : memref<3232xf32, #tpu.memory_space<vmem>>, vector<16xf32>,
    tpu.vector_store %arg17[%swap3A_301], %broadcast_in_dim3A_33 {strides = array<i32>} : memref<3232xf32, #tpu.memory_space<vmem>>, vector<16xf32>,
    %swap3A_303 = arith.constant 2160 : index
    %swap3A_304 = tpu.vector_load %arg17[%swap3A_303] {strides = array<i32>} : memref<3232xf32, #tpu.memory_space<vmem>>, vector<16xf32>,
    tpu.vector_store %arg17[%swap3A_303], %broadcast_in_dim3A_33 {strides = array<i32>} : memref<3232xf32, #tpu.memory_space<vmem>>, vector<16xf32>,
    %swap3A_305 = arith.constant 2176 : index
    %swap3A_306 = tpu.vector_load %arg17[%swap3A_305] {strides = array<i32>} : memref<3232xf32, #tpu.memory_space<vmem>>, vector<16xf32>,
    tpu.vector_store %arg17[%swap3A_305], %broadcast_in_dim3A_33 {strides = array<i32>} : memref<3232xf32, #tpu.memory_space<vmem>>, vector<16xf32>,
    %swap3A_307 = arith.constant 2192 : index
    %swap3A_308 = tpu.vector_load %arg17[%swap3A_307] {strides = array<i32>} : memref<3232xf32, #tpu.memory_space<vmem>>, vector<16xf32>,
    tpu.vector_store %arg17[%swap3A_307], %broadcast_in_dim3A_33 {strides = array<i32>} : memref<3232xf32, #tpu.memory_space<vmem>>, vector<16xf32>,
    %swap3A_309 = arith.constant 2208 : index
    %swap3A_310 = tpu.vector_load %arg17[%swap3A_309] {strides = array<i32>} : memref<3232xf32, #tpu.memory_space<vmem>>, vector<16xf32>,
    tpu.vector_store %arg17[%swap3A_309], %broadcast_in_dim3A_33 {strides = array<i32>} : memref<3232xf32, #tpu.memory_space<vmem>>, vector<16xf32>,
    %swap3A_311 = arith.constant 2224 : index
    %swap3A_312 = tpu.vector_load %arg17[%swap3A_311] {strides = array<i32>} : memref<3232xf32, #tpu.memory_space<vmem>>, vector<16xf32>,
    tpu.vector_store %arg17[%swap3A_311], %broadcast_in_dim3A_33 {strides = array<i32>} : memref<3232xf32, #tpu.memory_space<vmem>>, vector<16xf32>,
    %swap3A_313 = arith.constant 2240 : index
    %swap3A_314 = tpu.vector_load %arg17[%swap3A_313] {strides = array<i32>} : memref<3232xf32, #tpu.memory_space<vmem>>, vector<16xf32>,
    tpu.vector_store %arg17[%swap3A_313], %broadcast_in_dim3A_33 {strides = array<i32>} : memref<3232xf32, #tpu.memory_space<vmem>>, vector<16xf32>,
    %swap3A_315 = arith.constant 2256 : index
    %swap3A_316 = tpu.vector_load %arg17[%swap3A_315] {strides = array<i32>} : memref<3232xf32, #tpu.memory_space<vmem>>, vector<16xf32>,
    tpu.vector_store %arg17[%swap3A_315], %broadcast_in_dim3A_33 {strides = array<i32>} : memref<3232xf32, #tpu.memory_space<vmem>>, vector<16xf32>,
    %swap3A_317 = arith.constant 2272 : index
    %swap3A_318 = tpu.vector_load %arg17[%swap3A_317] {strides = array<i32>} : memref<3232xf32, #tpu.memory_space<vmem>>, vector<16xf32>,
    tpu.vector_store %arg17[%swap3A_317], %broadcast_in_dim3A_33 {strides = array<i32>} : memref<3232xf32, #tpu.memory_space<vmem>>, vector<16xf32>,
    %swap3A_319 = arith.constant 2288 : index
    %swap3A_320 = tpu.vector_load %arg17[%swap3A_319] {strides = array<i32>} : memref<3232xf32, #tpu.memory_space<vmem>>, vector<16xf32>,
    tpu.vector_store %arg17[%swap3A_319], %broadcast_in_dim3A_33 {strides = array<i32>} : memref<3232xf32, #tpu.memory_space<vmem>>, vector<16xf32>,
    %swap3A_321 = arith.constant 2304 : index
    %swap3A_322 = tpu.vector_load %arg17[%swap3A_321] {strides = array<i32>} : memref<3232xf32, #tpu.memory_space<vmem>>, vector<16xf32>,
    tpu.vector_store %arg17[%swap3A_321], %broadcast_in_dim3A_33 {strides = array<i32>} : memref<3232xf32, #tpu.memory_space<vmem>>, vector<16xf32>,
    %swap3A_323 = arith.constant 2320 : index
    %swap3A_324 = tpu.vector_load %arg17[%swap3A_323] {strides = array<i32>} : memref<3232xf32, #tpu.memory_space<vmem>>, vector<16xf32>,
    tpu.vector_store %arg17[%swap3A_323], %broadcast_in_dim3A_33 {strides = array<i32>} : memref<3232xf32, #tpu.memory_space<vmem>>, vector<16xf32>,
    %swap3A_325 = arith.constant 2336 : index
    %swap3A_326 = tpu.vector_load %arg17[%swap3A_325] {strides = array<i32>} : memref<3232xf32, #tpu.memory_space<vmem>>, vector<16xf32>,
    tpu.vector_store %arg17[%swap3A_325], %broadcast_in_dim3A_33 {strides = array<i32>} : memref<3232xf32, #tpu.memory_space<vmem>>, vector<16xf32>,
    %swap3A_327 = arith.constant 2352 : index
    %swap3A_328 = tpu.vector_load %arg17[%swap3A_327] {strides = array<i32>} : memref<3232xf32, #tpu.memory_space<vmem>>, vector<16xf32>,
    tpu.vector_store %arg17[%swap3A_327], %broadcast_in_dim3A_33 {strides = array<i32>} : memref<3232xf32, #tpu.memory_space<vmem>>, vector<16xf32>,
    %swap3A_329 = arith.constant 2368 : index
    %swap3A_330 = tpu.vector_load %arg17[%swap3A_329] {strides = array<i32>} : memref<3232xf32, #tpu.memory_space<vmem>>, vector<16xf32>,
    tpu.vector_store %arg17[%swap3A_329], %broadcast_in_dim3A_33 {strides = array<i32>} : memref<3232xf32, #tpu.memory_space<vmem>>, vector<16xf32>,
    %swap3A_331 = arith.constant 2384 : index
    %swap3A_332 = tpu.vector_load %arg17[%swap3A_331] {strides = array<i32>} : memref<3232xf32, #tpu.memory_space<vmem>>, vector<16xf32>,
    tpu.vector_store %arg17[%swap3A_331], %broadcast_in_dim3A_33 {strides = array<i32>} : memref<3232xf32, #tpu.memory_space<vmem>>, vector<16xf32>,
    %swap3A_333 = arith.constant 2400 : index
    %swap3A_334 = tpu.vector_load %arg17[%swap3A_333] {strides = array<i32>} : memref<3232xf32, #tpu.memory_space<vmem>>, vector<16xf32>,
    tpu.vector_store %arg17[%swap3A_333], %broadcast_in_dim3A_33 {strides = array<i32>} : memref<3232xf32, #tpu.memory_space<vmem>>, vector<16xf32>,
    %swap3A_335 = arith.constant 2416 : index
    %swap3A_336 = tpu.vector_load %arg17[%swap3A_335] {strides = array<i32>} : memref<3232xf32, #tpu.memory_space<vmem>>, vector<16xf32>,
    tpu.vector_store %arg17[%swap3A_335], %broadcast_in_dim3A_33 {strides = array<i32>} : memref<3232xf32, #tpu.memory_space<vmem>>, vector<16xf32>,
    %swap3A_337 = arith.constant 2432 : index
    %swap3A_338 = tpu.vector_load %arg17[%swap3A_337] {strides = array<i32>} : memref<3232xf32, #tpu.memory_space<vmem>>, vector<16xf32>,
    tpu.vector_store %arg17[%swap3A_337], %broadcast_in_dim3A_33 {strides = array<i32>} : memref<3232xf32, #tpu.memory_space<vmem>>, vector<16xf32>,
    %swap3A_339 = arith.constant 2448 : index
    %swap3A_340 = tpu.vector_load %arg17[%swap3A_339] {strides = array<i32>} : memref<3232xf32, #tpu.memory_space<vmem>>, vector<16xf32>,
    tpu.vector_store %arg17[%swap3A_339], %broadcast_in_dim3A_33 {strides = array<i32>} : memref<3232xf32, #tpu.memory_space<vmem>>, vector<16xf32>,
    %swap3A_341 = arith.constant 2464 : index
    %swap3A_342 = tpu.vector_load %arg17[%swap3A_341] {strides = array<i32>} : memref<3232xf32, #tpu.memory_space<vmem>>, vector<16xf32>,
    tpu.vector_store %arg17[%swap3A_341], %broadcast_in_dim3A_33 {strides = array<i32>} : memref<3232xf32, #tpu.memory_space<vmem>>, vector<16xf32>,
    %swap3A_343 = arith.constant 2480 : index
    %swap3A_344 = tpu.vector_load %arg17[%swap3A_343] {strides = array<i32>} : memref<3232xf32, #tpu.memory_space<vmem>>, vector<16xf32>,
    tpu.vector_store %arg17[%swap3A_343], %broadcast_in_dim3A_33 {strides = array<i32>} : memref<3232xf32, #tpu.memory_space<vmem>>, vector<16xf32>,
    %swap3A_345 = arith.constant 2496 : index
    %swap3A_346 = tpu.vector_load %arg17[%swap3A_345] {strides = array<i32>} : memref<3232xf32, #tpu.memory_space<vmem>>, vector<16xf32>,
    tpu.vector_store %arg17[%swap3A_345], %broadcast_in_dim3A_33 {strides = array<i32>} : memref<3232xf32, #tpu.memory_space<vmem>>, vector<16xf32>,
    %swap3A_347 = arith.constant 2512 : index
    %swap3A_348 = tpu.vector_load %arg17[%swap3A_347] {strides = array<i32>} : memref<3232xf32, #tpu.memory_space<vmem>>, vector<16xf32>,
    tpu.vector_store %arg17[%swap3A_347], %broadcast_in_dim3A_33 {strides = array<i32>} : memref<3232xf32, #tpu.memory_space<vmem>>, vector<16xf32>,
    %swap3A_349 = arith.constant 2528 : index
    %swap3A_350 = tpu.vector_load %arg17[%swap3A_349] {strides = array<i32>} : memref<3232xf32, #tpu.memory_space<vmem>>, vector<16xf32>,
    tpu.vector_store %arg17[%swap3A_349], %broadcast_in_dim3A_33 {strides = array<i32>} : memref<3232xf32, #tpu.memory_space<vmem>>, vector<16xf32>,
    %swap3A_351 = arith.constant 2544 : index
    %swap3A_352 = tpu.vector_load %arg17[%swap3A_351] {strides = array<i32>} : memref<3232xf32, #tpu.memory_space<vmem>>, vector<16xf32>,
    tpu.vector_store %arg17[%swap3A_351], %broadcast_in_dim3A_33 {strides = array<i32>} : memref<3232xf32, #tpu.memory_space<vmem>>, vector<16xf32>,
    %swap3A_353 = arith.constant 2560 : index
    %swap3A_354 = tpu.vector_load %arg17[%swap3A_353] {strides = array<i32>} : memref<3232xf32, #tpu.memory_space<vmem>>, vector<16xf32>,
    tpu.vector_store %arg17[%swap3A_353], %broadcast_in_dim3A_33 {strides = array<i32>} : memref<3232xf32, #tpu.memory_space<vmem>>, vector<16xf32>,
    %swap3A_355 = arith.constant 2576 : index
    %swap3A_356 = tpu.vector_load %arg17[%swap3A_355] {strides = array<i32>} : memref<3232xf32, #tpu.memory_space<vmem>>, vector<16xf32>,
    tpu.vector_store %arg17[%swap3A_355], %broadcast_in_dim3A_33 {strides = array<i32>} : memref<3232xf32, #tpu.memory_space<vmem>>, vector<16xf32>,
    %swap3A_357 = arith.constant 2592 : index
    %swap3A_358 = tpu.vector_load %arg17[%swap3A_357] {strides = array<i32>} : memref<3232xf32, #tpu.memory_space<vmem>>, vector<16xf32>,
    tpu.vector_store %arg17[%swap3A_357], %broadcast_in_dim3A_33 {strides = array<i32>} : memref<3232xf32, #tpu.memory_space<vmem>>, vector<16xf32>,
    %swap3A_359 = arith.constant 2608 : index
    %swap3A_360 = tpu.vector_load %arg17[%swap3A_359] {strides = array<i32>} : memref<3232xf32, #tpu.memory_space<vmem>>, vector<16xf32>,
    tpu.vector_store %arg17[%swap3A_359], %broadcast_in_dim3A_33 {strides = array<i32>} : memref<3232xf32, #tpu.memory_space<vmem>>, vector<16xf32>,
    %swap3A_361 = arith.constant 2624 : index
    %swap3A_362 = tpu.vector_load %arg17[%swap3A_361] {strides = array<i32>} : memref<3232xf32, #tpu.memory_space<vmem>>, vector<16xf32>,
    tpu.vector_store %arg17[%swap3A_361], %broadcast_in_dim3A_33 {strides = array<i32>} : memref<3232xf32, #tpu.memory_space<vmem>>, vector<16xf32>,
    %swap3A_363 = arith.constant 2640 : index
    %swap3A_364 = tpu.vector_load %arg17[%swap3A_363] {strides = array<i32>} : memref<3232xf32, #tpu.memory_space<vmem>>, vector<16xf32>,
    tpu.vector_store %arg17[%swap3A_363], %broadcast_in_dim3A_33 {strides = array<i32>} : memref<3232xf32, #tpu.memory_space<vmem>>, vector<16xf32>,
    %swap3A_365 = arith.constant 2656 : index
    %swap3A_366 = tpu.vector_load %arg17[%swap3A_365] {strides = array<i32>} : memref<3232xf32, #tpu.memory_space<vmem>>, vector<16xf32>,
    tpu.vector_store %arg17[%swap3A_365], %broadcast_in_dim3A_33 {strides = array<i32>} : memref<3232xf32, #tpu.memory_space<vmem>>, vector<16xf32>,
    %swap3A_367 = arith.constant 2672 : index
    %swap3A_368 = tpu.vector_load %arg17[%swap3A_367] {strides = array<i32>} : memref<3232xf32, #tpu.memory_space<vmem>>, vector<16xf32>,
    tpu.vector_store %arg17[%swap3A_367], %broadcast_in_dim3A_33 {strides = array<i32>} : memref<3232xf32, #tpu.memory_space<vmem>>, vector<16xf32>,
    %swap3A_369 = arith.constant 2688 : index
    %swap3A_370 = tpu.vector_load %arg17[%swap3A_369] {strides = array<i32>} : memref<3232xf32, #tpu.memory_space<vmem>>, vector<16xf32>,
    tpu.vector_store %arg17[%swap3A_369], %broadcast_in_dim3A_33 {strides = array<i32>} : memref<3232xf32, #tpu.memory_space<vmem>>, vector<16xf32>,
    %swap3A_371 = arith.constant 2704 : index
    %swap3A_372 = tpu.vector_load %arg17[%swap3A_371] {strides = array<i32>} : memref<3232xf32, #tpu.memory_space<vmem>>, vector<16xf32>,
    tpu.vector_store %arg17[%swap3A_371], %broadcast_in_dim3A_33 {strides = array<i32>} : memref<3232xf32, #tpu.memory_space<vmem>>, vector<16xf32>,
    %swap3A_373 = arith.constant 2720 : index
    %swap3A_374 = tpu.vector_load %arg17[%swap3A_373] {strides = array<i32>} : memref<3232xf32, #tpu.memory_space<vmem>>, vector<16xf32>,
    tpu.vector_store %arg17[%swap3A_373], %broadcast_in_dim3A_33 {strides = array<i32>} : memref<3232xf32, #tpu.memory_space<vmem>>, vector<16xf32>,
    %swap3A_375 = arith.constant 2736 : index
    %swap3A_376 = tpu.vector_load %arg17[%swap3A_375] {strides = array<i32>} : memref<3232xf32, #tpu.memory_space<vmem>>, vector<16xf32>,
    tpu.vector_store %arg17[%swap3A_375], %broadcast_in_dim3A_33 {strides = array<i32>} : memref<3232xf32, #tpu.memory_space<vmem>>, vector<16xf32>,
    %swap3A_377 = arith.constant 2752 : index
    %swap3A_378 = tpu.vector_load %arg17[%swap3A_377] {strides = array<i32>} : memref<3232xf32, #tpu.memory_space<vmem>>, vector<16xf32>,
    tpu.vector_store %arg17[%swap3A_377], %broadcast_in_dim3A_33 {strides = array<i32>} : memref<3232xf32, #tpu.memory_space<vmem>>, vector<16xf32>,
    %swap3A_379 = arith.constant 2768 : index
    %swap3A_380 = tpu.vector_load %arg17[%swap3A_379] {strides = array<i32>} : memref<3232xf32, #tpu.memory_space<vmem>>, vector<16xf32>,
    tpu.vector_store %arg17[%swap3A_379], %broadcast_in_dim3A_33 {strides = array<i32>} : memref<3232xf32, #tpu.memory_space<vmem>>, vector<16xf32>,
    %swap3A_381 = arith.constant 2784 : index
    %swap3A_382 = tpu.vector_load %arg17[%swap3A_381] {strides = array<i32>} : memref<3232xf32, #tpu.memory_space<vmem>>, vector<16xf32>,
    tpu.vector_store %arg17[%swap3A_381], %broadcast_in_dim3A_33 {strides = array<i32>} : memref<3232xf32, #tpu.memory_space<vmem>>, vector<16xf32>,
    %swap3A_383 = arith.constant 2800 : index
    %swap3A_384 = tpu.vector_load %arg17[%swap3A_383] {strides = array<i32>} : memref<3232xf32, #tpu.memory_space<vmem>>, vector<16xf32>,
    tpu.vector_store %arg17[%swap3A_383], %broadcast_in_dim3A_33 {strides = array<i32>} : memref<3232xf32, #tpu.memory_space<vmem>>, vector<16xf32>,
    %swap3A_385 = arith.constant 2816 : index
    %swap3A_386 = tpu.vector_load %arg17[%swap3A_385] {strides = array<i32>} : memref<3232xf32, #tpu.memory_space<vmem>>, vector<16xf32>,
    tpu.vector_store %arg17[%swap3A_385], %broadcast_in_dim3A_33 {strides = array<i32>} : memref<3232xf32, #tpu.memory_space<vmem>>, vector<16xf32>,
    %swap3A_387 = arith.constant 2832 : index
    %swap3A_388 = tpu.vector_load %arg17[%swap3A_387] {strides = array<i32>} : memref<3232xf32, #tpu.memory_space<vmem>>, vector<16xf32>,
    tpu.vector_store %arg17[%swap3A_387], %broadcast_in_dim3A_33 {strides = array<i32>} : memref<3232xf32, #tpu.memory_space<vmem>>, vector<16xf32>,
    %swap3A_389 = arith.constant 2848 : index
    %swap3A_390 = tpu.vector_load %arg17[%swap3A_389] {strides = array<i32>} : memref<3232xf32, #tpu.memory_space<vmem>>, vector<16xf32>,
    tpu.vector_store %arg17[%swap3A_389], %broadcast_in_dim3A_33 {strides = array<i32>} : memref<3232xf32, #tpu.memory_space<vmem>>, vector<16xf32>,
    %swap3A_391 = arith.constant 2864 : index
    %swap3A_392 = tpu.vector_load %arg17[%swap3A_391] {strides = array<i32>} : memref<3232xf32, #tpu.memory_space<vmem>>, vector<16xf32>,
    tpu.vector_store %arg17[%swap3A_391], %broadcast_in_dim3A_33 {strides = array<i32>} : memref<3232xf32, #tpu.memory_space<vmem>>, vector<16xf32>,
    %swap3A_393 = arith.constant 2880 : index
    %swap3A_394 = tpu.vector_load %arg17[%swap3A_393] {strides = array<i32>} : memref<3232xf32, #tpu.memory_space<vmem>>, vector<16xf32>,
    tpu.vector_store %arg17[%swap3A_393], %broadcast_in_dim3A_33 {strides = array<i32>} : memref<3232xf32, #tpu.memory_space<vmem>>, vector<16xf32>,
    %swap3A_395 = arith.constant 2896 : index
    %swap3A_396 = tpu.vector_load %arg17[%swap3A_395] {strides = array<i32>} : memref<3232xf32, #tpu.memory_space<vmem>>, vector<16xf32>,
    tpu.vector_store %arg17[%swap3A_395], %broadcast_in_dim3A_33 {strides = array<i32>} : memref<3232xf32, #tpu.memory_space<vmem>>, vector<16xf32>,
    %swap3A_397 = arith.constant 2912 : index
    %swap3A_398 = tpu.vector_load %arg17[%swap3A_397] {strides = array<i32>} : memref<3232xf32, #tpu.memory_space<vmem>>, vector<16xf32>,
    tpu.vector_store %arg17[%swap3A_397], %broadcast_in_dim3A_33 {strides = array<i32>} : memref<3232xf32, #tpu.memory_space<vmem>>, vector<16xf32>,
    %swap3A_399 = arith.constant 2928 : index
    %swap3A_400 = tpu.vector_load %arg17[%swap3A_399] {strides = array<i32>} : memref<3232xf32, #tpu.memory_space<vmem>>, vector<16xf32>,
    tpu.vector_store %arg17[%swap3A_399], %broadcast_in_dim3A_33 {strides = array<i32>} : memref<3232xf32, #tpu.memory_space<vmem>>, vector<16xf32>,
    %swap3A_401 = arith.constant 2944 : index
    %swap3A_402 = tpu.vector_load %arg17[%swap3A_401] {strides = array<i32>} : memref<3232xf32, #tpu.memory_space<vmem>>, vector<16xf32>,
    tpu.vector_store %arg17[%swap3A_401], %broadcast_in_dim3A_33 {strides = array<i32>} : memref<3232xf32, #tpu.memory_space<vmem>>, vector<16xf32>,
    %swap3A_403 = arith.constant 2960 : index
    %swap3A_404 = tpu.vector_load %arg17[%swap3A_403] {strides = array<i32>} : memref<3232xf32, #tpu.memory_space<vmem>>, vector<16xf32>,
    tpu.vector_store %arg17[%swap3A_403], %broadcast_in_dim3A_33 {strides = array<i32>} : memref<3232xf32, #tpu.memory_space<vmem>>, vector<16xf32>,
    %swap3A_405 = arith.constant 2976 : index
    %swap3A_406 = tpu.vector_load %arg17[%swap3A_405] {strides = array<i32>} : memref<3232xf32, #tpu.memory_space<vmem>>, vector<16xf32>,
    tpu.vector_store %arg17[%swap3A_405], %broadcast_in_dim3A_33 {strides = array<i32>} : memref<3232xf32, #tpu.memory_space<vmem>>, vector<16xf32>,
    %swap3A_407 = arith.constant 2992 : index
    %swap3A_408 = tpu.vector_load %arg17[%swap3A_407] {strides = array<i32>} : memref<3232xf32, #tpu.memory_space<vmem>>, vector<16xf32>,
    tpu.vector_store %arg17[%swap3A_407], %broadcast_in_dim3A_33 {strides = array<i32>} : memref<3232xf32, #tpu.memory_space<vmem>>, vector<16xf32>,
    %swap3A_409 = arith.constant 3008 : index
    %swap3A_410 = tpu.vector_load %arg17[%swap3A_409] {strides = array<i32>} : memref<3232xf32, #tpu.memory_space<vmem>>, vector<16xf32>,
    tpu.vector_store %arg17[%swap3A_409], %broadcast_in_dim3A_33 {strides = array<i32>} : memref<3232xf32, #tpu.memory_space<vmem>>, vector<16xf32>,
    %swap3A_411 = arith.constant 3024 : index
    %swap3A_412 = tpu.vector_load %arg17[%swap3A_411] {strides = array<i32>} : memref<3232xf32, #tpu.memory_space<vmem>>, vector<16xf32>,
    tpu.vector_store %arg17[%swap3A_411], %broadcast_in_dim3A_33 {strides = array<i32>} : memref<3232xf32, #tpu.memory_space<vmem>>, vector<16xf32>,
    %swap3A_413 = arith.constant 3040 : index
    %swap3A_414 = tpu.vector_load %arg17[%swap3A_413] {strides = array<i32>} : memref<3232xf32, #tpu.memory_space<vmem>>, vector<16xf32>,
    tpu.vector_store %arg17[%swap3A_413], %broadcast_in_dim3A_33 {strides = array<i32>} : memref<3232xf32, #tpu.memory_space<vmem>>, vector<16xf32>,
    %swap3A_415 = arith.constant 3056 : index
    %swap3A_416 = tpu.vector_load %arg17[%swap3A_415] {strides = array<i32>} : memref<3232xf32, #tpu.memory_space<vmem>>, vector<16xf32>,
    tpu.vector_store %arg17[%swap3A_415], %broadcast_in_dim3A_33 {strides = array<i32>} : memref<3232xf32, #tpu.memory_space<vmem>>, vector<16xf32>,
    %swap3A_417 = arith.constant 3072 : index
    %swap3A_418 = tpu.vector_load %arg17[%swap3A_417] {strides = array<i32>} : memref<3232xf32, #tpu.memory_space<vmem>>, vector<16xf32>,
    tpu.vector_store %arg17[%swap3A_417], %broadcast_in_dim3A_33 {strides = array<i32>} : memref<3232xf32, #tpu.memory_space<vmem>>, vector<16xf32>,
    %swap3A_419 = arith.constant 3088 : index
    %swap3A_420 = tpu.vector_load %arg17[%swap3A_419] {strides = array<i32>} : memref<3232xf32, #tpu.memory_space<vmem>>, vector<16xf32>,
    tpu.vector_store %arg17[%swap3A_419], %broadcast_in_dim3A_33 {strides = array<i32>} : memref<3232xf32, #tpu.memory_space<vmem>>, vector<16xf32>,
    %swap3A_421 = arith.constant 3104 : index
    %swap3A_422 = tpu.vector_load %arg17[%swap3A_421] {strides = array<i32>} : memref<3232xf32, #tpu.memory_space<vmem>>, vector<16xf32>,
    tpu.vector_store %arg17[%swap3A_421], %broadcast_in_dim3A_33 {strides = array<i32>} : memref<3232xf32, #tpu.memory_space<vmem>>, vector<16xf32>,
    %swap3A_423 = arith.constant 3120 : index
    %swap3A_424 = tpu.vector_load %arg17[%swap3A_423] {strides = array<i32>} : memref<3232xf32, #tpu.memory_space<vmem>>, vector<16xf32>,
    tpu.vector_store %arg17[%swap3A_423], %broadcast_in_dim3A_33 {strides = array<i32>} : memref<3232xf32, #tpu.memory_space<vmem>>, vector<16xf32>,
    %swap3A_425 = arith.constant 3136 : index
    %swap3A_426 = tpu.vector_load %arg17[%swap3A_425] {strides = array<i32>} : memref<3232xf32, #tpu.memory_space<vmem>>, vector<16xf32>,
    tpu.vector_store %arg17[%swap3A_425], %broadcast_in_dim3A_33 {strides = array<i32>} : memref<3232xf32, #tpu.memory_space<vmem>>, vector<16xf32>,
    %swap3A_427 = arith.constant 3152 : index
    %swap3A_428 = tpu.vector_load %arg17[%swap3A_427] {strides = array<i32>} : memref<3232xf32, #tpu.memory_space<vmem>>, vector<16xf32>,
    tpu.vector_store %arg17[%swap3A_427], %broadcast_in_dim3A_33 {strides = array<i32>} : memref<3232xf32, #tpu.memory_space<vmem>>, vector<16xf32>,
    %swap3A_429 = arith.constant 3168 : index
    %swap3A_430 = tpu.vector_load %arg17[%swap3A_429] {strides = array<i32>} : memref<3232xf32, #tpu.memory_space<vmem>>, vector<16xf32>,
    tpu.vector_store %arg17[%swap3A_429], %broadcast_in_dim3A_33 {strides = array<i32>} : memref<3232xf32, #tpu.memory_space<vmem>>, vector<16xf32>,
    %swap3A_431 = arith.constant 3184 : index
    %swap3A_432 = tpu.vector_load %arg17[%swap3A_431] {strides = array<i32>} : memref<3232xf32, #tpu.memory_space<vmem>>, vector<16xf32>,
    tpu.vector_store %arg17[%swap3A_431], %broadcast_in_dim3A_33 {strides = array<i32>} : memref<3232xf32, #tpu.memory_space<vmem>>, vector<16xf32>,
    %swap3A_433 = arith.constant 3200 : index
    %swap3A_434 = tpu.vector_load %arg17[%swap3A_433] {strides = array<i32>} : memref<3232xf32, #tpu.memory_space<vmem>>, vector<16xf32>,
    tpu.vector_store %arg17[%swap3A_433], %broadcast_in_dim3A_33 {strides = array<i32>} : memref<3232xf32, #tpu.memory_space<vmem>>, vector<16xf32>,
    %swap3A_435 = arith.constant 3216 : index
    %swap3A_436 = tpu.vector_load %arg17[%swap3A_435] {strides = array<i32>} : memref<3232xf32, #tpu.memory_space<vmem>>, vector<16xf32>,
    tpu.vector_store %arg17[%swap3A_435], %broadcast_in_dim3A_33 {strides = array<i32>} : memref<3232xf32, #tpu.memory_space<vmem>>, vector<16xf32>,
    %iota3A = tpu.iota {dimensions = array<i32: 0>} : vector<16xi32>
    %dma_wait3A = tpu.memref_slice %arg2[%min3A_15] : memref<20000xi32, #tpu.memory_space<hbm>> -> memref<1296xi32, #tpu.memory_space<hbm>>
    %dma_wait3A_437 = tpu.memref_slice %arg2[%min3A_15] : memref<20000xi32, #tpu.memory_space<hbm>> -> memref<1296xi32, #tpu.memory_space<hbm>>
    tpu.wait_dma2 semaphore(%arg23 : memref<!tpu.dma_semaphore, #tpu.memory_space<semaphore_mem>>) src(%dma_wait3A_437 : memref<1296xi32, #tpu.memory_space<hbm>>) dst(%arg9 : memref<1296xi32, #tpu.memory_space<vmem>>)
    %add3A_438 = arith.constant 0 : i32
    %add3A_439 = arith.addi %add3A_438, %sub3A_19 : i32
    %mul3A_440 = arith.constant 16 : i32
    %mul3A_441 = arith.muli %add3A_439, %mul3A_440 : i32
    %mul3A_442 = arith.constant 16 : i32
    %mul3A_443 = vector.broadcast %mul3A_442 : i32 to vector<16xi32>
    %mul3A_444 = arith.muli %iota3A, %mul3A_443 : vector<16xi32>
    %add3A_445 = vector.broadcast %mul3A_441 : i32 to vector<16xi32>
    %add3A_446 = arith.addi %add3A_445, %mul3A_444 : vector<16xi32>
    %min3A_447 = arith.constant 1280 : i32
    %min3A_448 = vector.broadcast %min3A_447 : i32 to vector<16xi32>
    %min3A_449 = arith.minsi %add3A_446, %min3A_448 : vector<16xi32>
    %gather3A = tpu.vector_load_idx %arg9[%min3A_449] : memref<1296xi32, #tpu.memory_space<vmem>>[vector<16xi32>], vector<16xi32>,
    %swap3A_450 = arith.constant 0 : index
    %swap3A_451 = tpu.vector_load %arg10[%swap3A_450] {strides = array<i32>} : memref<80xi32, #tpu.memory_space<vmem>>, vector<16xi32>,
    tpu.vector_store %arg10[%swap3A_450], %gather3A {strides = array<i32>} : memref<80xi32, #tpu.memory_space<vmem>>, vector<16xi32>,
    %add3A_452 = arith.constant 16 : i32
    %add3A_453 = arith.addi %add3A_452, %sub3A_19 : i32
    %mul3A_454 = arith.constant 16 : i32
    %mul3A_455 = arith.muli %add3A_453, %mul3A_454 : i32
    %mul3A_456 = arith.constant 16 : i32
    %mul3A_457 = vector.broadcast %mul3A_456 : i32 to vector<16xi32>
    %mul3A_458 = arith.muli %iota3A, %mul3A_457 : vector<16xi32>
    %add3A_459 = vector.broadcast %mul3A_455 : i32 to vector<16xi32>
    %add3A_460 = arith.addi %add3A_459, %mul3A_458 : vector<16xi32>
    %min3A_461 = arith.constant 1280 : i32
    %min3A_462 = vector.broadcast %min3A_461 : i32 to vector<16xi32>
    %min3A_463 = arith.minsi %add3A_460, %min3A_462 : vector<16xi32>
    %gather3A_464 = tpu.vector_load_idx %arg9[%min3A_463] : memref<1296xi32, #tpu.memory_space<vmem>>[vector<16xi32>], vector<16xi32>,
    %swap3A_465 = arith.constant 16 : index
    %swap3A_466 = tpu.vector_load %arg10[%swap3A_465] {strides = array<i32>} : memref<80xi32, #tpu.memory_space<vmem>>, vector<16xi32>,
    tpu.vector_store %arg10[%swap3A_465], %gather3A_464 {strides = array<i32>} : memref<80xi32, #tpu.memory_space<vmem>>, vector<16xi32>,
    %add3A_467 = arith.constant 32 : i32
    %add3A_468 = arith.addi %add3A_467, %sub3A_19 : i32
    %mul3A_469 = arith.constant 16 : i32
    %mul3A_470 = arith.muli %add3A_468, %mul3A_469 : i32
    %mul3A_471 = arith.constant 16 : i32
    %mul3A_472 = vector.broadcast %mul3A_471 : i32 to vector<16xi32>
    %mul3A_473 = arith.muli %iota3A, %mul3A_472 : vector<16xi32>
    %add3A_474 = vector.broadcast %mul3A_470 : i32 to vector<16xi32>
    %add3A_475 = arith.addi %add3A_474, %mul3A_473 : vector<16xi32>
    %min3A_476 = arith.constant 1280 : i32
    %min3A_477 = vector.broadcast %min3A_476 : i32 to vector<16xi32>
    %min3A_478 = arith.minsi %add3A_475, %min3A_477 : vector<16xi32>
    %gather3A_479 = tpu.vector_load_idx %arg9[%min3A_478] : memref<1296xi32, #tpu.memory_space<vmem>>[vector<16xi32>], vector<16xi32>,
    %swap3A_480 = arith.constant 32 : index
    %swap3A_481 = tpu.vector_load %arg10[%swap3A_480] {strides = array<i32>} : memref<80xi32, #tpu.memory_space<vmem>>, vector<16xi32>,
    tpu.vector_store %arg10[%swap3A_480], %gather3A_479 {strides = array<i32>} : memref<80xi32, #tpu.memory_space<vmem>>, vector<16xi32>,
    %add3A_482 = arith.constant 48 : i32
    %add3A_483 = arith.addi %add3A_482, %sub3A_19 : i32
    %mul3A_484 = arith.constant 16 : i32
    %mul3A_485 = arith.muli %add3A_483, %mul3A_484 : i32
    %mul3A_486 = arith.constant 16 : i32
    %mul3A_487 = vector.broadcast %mul3A_486 : i32 to vector<16xi32>
    %mul3A_488 = arith.muli %iota3A, %mul3A_487 : vector<16xi32>
    %add3A_489 = vector.broadcast %mul3A_485 : i32 to vector<16xi32>
    %add3A_490 = arith.addi %add3A_489, %mul3A_488 : vector<16xi32>
    %min3A_491 = arith.constant 1280 : i32
    %min3A_492 = vector.broadcast %min3A_491 : i32 to vector<16xi32>
    %min3A_493 = arith.minsi %add3A_490, %min3A_492 : vector<16xi32>
    %gather3A_494 = tpu.vector_load_idx %arg9[%min3A_493] : memref<1296xi32, #tpu.memory_space<vmem>>[vector<16xi32>], vector<16xi32>,
    %swap3A_495 = arith.constant 48 : index
    %swap3A_496 = tpu.vector_load %arg10[%swap3A_495] {strides = array<i32>} : memref<80xi32, #tpu.memory_space<vmem>>, vector<16xi32>,
    tpu.vector_store %arg10[%swap3A_495], %gather3A_494 {strides = array<i32>} : memref<80xi32, #tpu.memory_space<vmem>>, vector<16xi32>,
    %add3A_497 = arith.constant 64 : i32
    %add3A_498 = arith.addi %add3A_497, %sub3A_19 : i32
    %mul3A_499 = arith.constant 16 : i32
    %mul3A_500 = arith.muli %add3A_498, %mul3A_499 : i32
    %mul3A_501 = arith.constant 16 : i32
    %mul3A_502 = vector.broadcast %mul3A_501 : i32 to vector<16xi32>
    %mul3A_503 = arith.muli %iota3A, %mul3A_502 : vector<16xi32>
    %add3A_504 = vector.broadcast %mul3A_500 : i32 to vector<16xi32>
    %add3A_505 = arith.addi %add3A_504, %mul3A_503 : vector<16xi32>
    %min3A_506 = arith.constant 1280 : i32
    %min3A_507 = vector.broadcast %min3A_506 : i32 to vector<16xi32>
    %min3A_508 = arith.minsi %add3A_505, %min3A_507 : vector<16xi32>
    %gather3A_509 = tpu.vector_load_idx %arg9[%min3A_508] : memref<1296xi32, #tpu.memory_space<vmem>>[vector<16xi32>], vector<16xi32>,
    %swap3A_510 = arith.constant 64 : index
    %swap3A_511 = tpu.vector_load %arg10[%swap3A_510] {strides = array<i32>} : memref<80xi32, #tpu.memory_space<vmem>>, vector<16xi32>,
    tpu.vector_store %arg10[%swap3A_510], %gather3A_509 {strides = array<i32>} : memref<80xi32, #tpu.memory_space<vmem>>, vector<16xi32>,
    %mul3A_512 = arith.constant 80 : i32
    %mul3A_513 = arith.muli %arg1, %mul3A_512 : i32
    "tpu.region"() ({
      %run_scoped3A = tpu.sem_alloc : memref<!tpu.dma_semaphore, #tpu.memory_space<semaphore_mem>>
      %dma_start3A_535 = tpu.memref_slice %arg21[%mul3A_513] : memref<1280xi32, #tpu.memory_space<vmem_shared>> -> memref<80xi32, #tpu.memory_space<vmem_shared>>
      %dma_start3A_536 = tpu.memref_slice %arg21[%mul3A_513] : memref<1280xi32, #tpu.memory_space<vmem_shared>> -> memref<80xi32, #tpu.memory_space<vmem_shared>>
      tpu.enqueue_dma source(%arg10 : memref<80xi32, #tpu.memory_space<vmem>>) target(%dma_start3A_536 : memref<80xi32, #tpu.memory_space<vmem_shared>>) target_semaphore(%run_scoped3A : memref<!tpu.dma_semaphore, #tpu.memory_space<semaphore_mem>>)
      %dma_wait3A_537 = tpu.memref_slice %arg21[%mul3A_513] : memref<1280xi32, #tpu.memory_space<vmem_shared>> -> memref<80xi32, #tpu.memory_space<vmem_shared>>
      %dma_wait3A_538 = tpu.memref_slice %arg21[%mul3A_513] : memref<1280xi32, #tpu.memory_space<vmem_shared>> -> memref<80xi32, #tpu.memory_space<vmem_shared>>
      tpu.wait_dma2 semaphore(%run_scoped3A : memref<!tpu.dma_semaphore, #tpu.memory_space<semaphore_mem>>) src(%arg10 : memref<80xi32, #tpu.memory_space<vmem>>) dst(%dma_wait3A_538 : memref<80xi32, #tpu.memory_space<vmem_shared>>)
      tpu.yield
    }) : () -> ()
    %dma_wait3A_514 = arith.constant 0 : i32
    %dma_wait3A_515 = tpu.memref_slice %arg16[%dma_wait3A_514] : memref<16xf32, #tpu.memory_space<vmem>> -> memref<1xf32, #tpu.memory_space<vmem>>
    %dma_wait3A_516 = arith.constant 0 : i32
    %dma_wait3A_517 = tpu.memref_slice %arg16[%dma_wait3A_516] : memref<16xf32, #tpu.memory_space<vmem>> -> memref<1xf32, #tpu.memory_space<vmem>>
    tpu.wait_dma2 semaphore(%arg26 : memref<!tpu.dma_semaphore, #tpu.memory_space<semaphore_mem>>) src(%arg5 : memref<1xf32, #tpu.memory_space<hbm>>) dst(%dma_wait3A_517 : memref<1xf32, #tpu.memory_space<vmem>>)
    %dma_wait3A_518 = tpu.memref_slice %arg3[%mul3A_26] : memref<20000xf32, #tpu.memory_space<hbm>> -> memref<1264xf32, #tpu.memory_space<hbm>>
    %dma_wait3A_519 = tpu.memref_slice %arg3[%mul3A_26] : memref<20000xf32, #tpu.memory_space<hbm>> -> memref<1264xf32, #tpu.memory_space<hbm>>
    tpu.wait_dma2 semaphore(%arg24 : memref<!tpu.dma_semaphore, #tpu.memory_space<semaphore_mem>>) src(%dma_wait3A_519 : memref<1264xf32, #tpu.memory_space<hbm>>) dst(%arg14 : memref<1264xf32, #tpu.memory_space<vmem>>)
    %dma_wait3A_520 = tpu.memref_slice %arg4[%mul3A_30] : memref<20000xi32, #tpu.memory_space<hbm>> -> memref<1264xi32, #tpu.memory_space<hbm>>
    %dma_wait3A_521 = tpu.memref_slice %arg4[%mul3A_30] : memref<20000xi32, #tpu.memory_space<hbm>> -> memref<1264xi32, #tpu.memory_space<hbm>>
    tpu.wait_dma2 semaphore(%arg25 : memref<!tpu.dma_semaphore, #tpu.memory_space<semaphore_mem>>) src(%dma_wait3A_521 : memref<1264xi32, #tpu.memory_space<hbm>>) dst(%arg15 : memref<1264xi32, #tpu.memory_space<vmem>>)
    %get3A = arith.constant 0 : index
    %get3A_522 = tpu.vector_load %arg16[%get3A] {strides = array<i32>} : memref<16xf32, #tpu.memory_space<vmem>>, vector<16xf32>,
    %slice3A = vector.extract_strided_slice %get3A_522 {offsets = [0], sizes = [1], strides = [1]} : vector<16xf32> to vector<1xf32>
    %squeeze3A = vector.extract %slice3A[0] : f32 from vector<1xf32>
    %broadcast_in_dim3A_523 = vector.broadcast %squeeze3A : f32 to vector<16xf32>
    %eq3A = arith.constant 0 : i32
    %eq3A_524 = arith.cmpi eq, %arg0, %eq3A : i32
    %convert_element_type3A = arith.extui %eq3A_524 : i1 to i32
    %cond3A = arith.constant 0 : i32
    %cond3A_525 = arith.cmpi ne, %convert_element_type3A, %cond3A : i32
    scf.if %cond3A_525 {
      %broadcast_in_dim3A_535 = arith.constant 0x7F800000 : f32
      %broadcast_in_dim3A_536 = vector.broadcast %broadcast_in_dim3A_535 : f32 to vector<16xf32>
      %broadcast_in_dim3A_537 = arith.constant 0 : i32
      %broadcast_in_dim3A_538 = vector.broadcast %broadcast_in_dim3A_537 : i32 to vector<16xi32>
      %broadcast_in_dim3A_539 = arith.constant 0 : i32
      %broadcast_in_dim3A_540 = vector.broadcast %broadcast_in_dim3A_539 : i32 to vector<16xi32>
      %scan3A = arith.constant 0 : i32
      %scan3A_541 = arith.constant 79 : i32
      %scan3A_542 = arith.addi %scan3A, %scan3A_541 : i32
      %scan3A_543 = arith.constant 1 : i32
      %scan3A_544:3 = scf.for %scan3A_557 = %scan3A to %scan3A_542 step %scan3A_543 iter_args(%scan3A_558 = %broadcast_in_dim3A_536, %scan3A_559 = %broadcast_in_dim3A_538, %scan3A_560 = %broadcast_in_dim3A_540) -> (vector<16xf32>, vector<16xi32>, vector<16xi32>)  : i32 {
        %mul3A_561 = arith.constant 16 : i32
        %mul3A_562 = arith.muli %scan3A_557, %mul3A_561 : i32
        %get3A_563 = arith.index_cast %mul3A_562 : i32 to index
        %get3A_564 = tpu.vector_load %arg14[%get3A_563] {strides = array<i32>} : memref<1264xf32, #tpu.memory_space<vmem>>, vector<16xf32>,
        %mul3A_565 = arith.constant 16 : i32
        %mul3A_566 = arith.muli %scan3A_557, %mul3A_565 : i32
        %get3A_567 = arith.index_cast %mul3A_566 : i32 to index
        %get3A_568 = tpu.vector_load %arg15[%get3A_567] {strides = array<i32>} : memref<1264xi32, #tpu.memory_space<vmem>>, vector<16xi32>,
        %sub3A_569 = arith.subf %get3A_564, %broadcast_in_dim3A_523 : vector<16xf32>
        %abs3A = math.absf %sub3A_569 : vector<16xf32>
        %add3A_570 = arith.addi %min3A_9, %scan3A_557 : i32
        %mul3A_571 = arith.constant 16 : i32
        %mul3A_572 = arith.muli %add3A_570, %mul3A_571 : i32
        %add3A_573 = vector.broadcast %mul3A_572 : i32 to vector<16xi32>
        %add3A_574 = arith.addi %add3A_573, %iota3A : vector<16xi32>
        %lt3A = arith.cmpf olt, %abs3A, %scan3A_558 : vector<16xf32>
        %select_n3A = arith.select %lt3A, %abs3A, %scan3A_558 : vector<16xi1>, vector<16xf32>
        %select_n3A_575 = arith.select %lt3A, %add3A_574, %scan3A_559 : vector<16xi1>, vector<16xi32>
        %select_n3A_576 = arith.select %lt3A, %get3A_568, %scan3A_560 : vector<16xi1>, vector<16xi32>
        scf.yield %select_n3A, %select_n3A_575, %select_n3A_576 : vector<16xf32>, vector<16xi32>, vector<16xi32>
      }
      %scan3A_545 = arith.constant 79 : i32
      %swap3A_546 = arith.constant 0 : index
      %swap3A_547 = tpu.vector_load %arg19[%swap3A_546] {strides = array<i32>} : memref<48xf32, #tpu.memory_space<vmem>>, vector<16xf32>,
      tpu.vector_store %arg19[%swap3A_546], %scan3A_544#0 {strides = array<i32>} : memref<48xf32, #tpu.memory_space<vmem>>, vector<16xf32>,
      %bitcast3A = vector.bitcast %scan3A_544#1 : vector<16xi32> to vector<16xf32>
      %swap3A_548 = arith.constant 16 : index
      %swap3A_549 = tpu.vector_load %arg19[%swap3A_548] {strides = array<i32>} : memref<48xf32, #tpu.memory_space<vmem>>, vector<16xf32>,
      tpu.vector_store %arg19[%swap3A_548], %bitcast3A {strides = array<i32>} : memref<48xf32, #tpu.memory_space<vmem>>, vector<16xf32>,
      %bitcast3A_550 = vector.bitcast %scan3A_544#2 : vector<16xi32> to vector<16xf32>
      %swap3A_551 = arith.constant 32 : index
      %swap3A_552 = tpu.vector_load %arg19[%swap3A_551] {strides = array<i32>} : memref<48xf32, #tpu.memory_space<vmem>>, vector<16xf32>,
      tpu.vector_store %arg19[%swap3A_551], %bitcast3A_550 {strides = array<i32>} : memref<48xf32, #tpu.memory_space<vmem>>, vector<16xf32>,
      %mul3A_553 = arith.constant 3 : i32
      %mul3A_554 = arith.muli %arg1, %mul3A_553 : i32
      %mul3A_555 = arith.constant 16 : i32
      %mul3A_556 = arith.muli %mul3A_554, %mul3A_555 : i32
      "tpu.region"() ({
        %run_scoped3A = tpu.sem_alloc : memref<!tpu.dma_semaphore, #tpu.memory_space<semaphore_mem>>
        %dma_start3A_557 = tpu.memref_slice %arg22[%mul3A_556] : memref<768xf32, #tpu.memory_space<vmem_shared>> -> memref<48xf32, #tpu.memory_space<vmem_shared>>
        %dma_start3A_558 = tpu.memref_slice %arg22[%mul3A_556] : memref<768xf32, #tpu.memory_space<vmem_shared>> -> memref<48xf32, #tpu.memory_space<vmem_shared>>
        tpu.enqueue_dma source(%arg19 : memref<48xf32, #tpu.memory_space<vmem>>) target(%dma_start3A_558 : memref<48xf32, #tpu.memory_space<vmem_shared>>) target_semaphore(%run_scoped3A : memref<!tpu.dma_semaphore, #tpu.memory_space<semaphore_mem>>)
        %dma_wait3A_559 = tpu.memref_slice %arg22[%mul3A_556] : memref<768xf32, #tpu.memory_space<vmem_shared>> -> memref<48xf32, #tpu.memory_space<vmem_shared>>
        %dma_wait3A_560 = tpu.memref_slice %arg22[%mul3A_556] : memref<768xf32, #tpu.memory_space<vmem_shared>> -> memref<48xf32, #tpu.memory_space<vmem_shared>>
        tpu.wait_dma2 semaphore(%run_scoped3A : memref<!tpu.dma_semaphore, #tpu.memory_space<semaphore_mem>>) src(%arg19 : memref<48xf32, #tpu.memory_space<vmem>>) dst(%dma_wait3A_560 : memref<48xf32, #tpu.memory_space<vmem_shared>>)
        tpu.yield
      }) : () -> ()
    } else {
    }
    %barrier3A = arith.constant 0 : index
    tpu.barrier barrier_id(%barrier3A)
    %eq3A_526 = arith.constant 0 : i32
    %eq3A_527 = arith.cmpi eq, %add3A, %eq3A_526 : i32
    %convert_element_type3A_528 = arith.extui %eq3A_527 : i1 to i32
    %cond3A_529 = arith.constant 0 : i32
    %cond3A_530 = arith.cmpi ne, %convert_element_type3A_528, %cond3A_529 : i32
    scf.if %cond3A_530 {
      "tpu.region"() ({
        %run_scoped3A = tpu.sem_alloc : memref<!tpu.dma_semaphore, #tpu.memory_space<semaphore_mem>>
        tpu.enqueue_dma source(%arg22 : memref<768xf32, #tpu.memory_space<vmem_shared>>) target(%arg20 : memref<768xf32, #tpu.memory_space<vmem>>) target_semaphore(%run_scoped3A : memref<!tpu.dma_semaphore, #tpu.memory_space<semaphore_mem>>)
        tpu.wait_dma2 semaphore(%run_scoped3A : memref<!tpu.dma_semaphore, #tpu.memory_space<semaphore_mem>>) src(%arg22 : memref<768xf32, #tpu.memory_space<vmem_shared>>) dst(%arg20 : memref<768xf32, #tpu.memory_space<vmem>>)
        tpu.yield
      }) : () -> ()
      %get3A_535 = arith.constant 0 : index
      %get3A_536 = tpu.vector_load %arg20[%get3A_535] {strides = array<i32>} : memref<768xf32, #tpu.memory_space<vmem>>, vector<16xf32>,
      %get3A_537 = arith.constant 16 : index
      %get3A_538 = tpu.vector_load %arg20[%get3A_537] {strides = array<i32>} : memref<768xf32, #tpu.memory_space<vmem>>, vector<16xf32>,
      %bitcast3A = vector.bitcast %get3A_538 : vector<16xf32> to vector<16xi32>
      %get3A_539 = arith.constant 32 : index
      %get3A_540 = tpu.vector_load %arg20[%get3A_539] {strides = array<i32>} : memref<768xf32, #tpu.memory_space<vmem>>, vector<16xf32>,
      %bitcast3A_541 = vector.bitcast %get3A_540 : vector<16xf32> to vector<16xi32>
      %get3A_542 = arith.constant 48 : index
      %get3A_543 = tpu.vector_load %arg20[%get3A_542] {strides = array<i32>} : memref<768xf32, #tpu.memory_space<vmem>>, vector<16xf32>,
      %get3A_544 = arith.constant 64 : index
      %get3A_545 = tpu.vector_load %arg20[%get3A_544] {strides = array<i32>} : memref<768xf32, #tpu.memory_space<vmem>>, vector<16xf32>,
      %bitcast3A_546 = vector.bitcast %get3A_545 : vector<16xf32> to vector<16xi32>
      %get3A_547 = arith.constant 80 : index
      %get3A_548 = tpu.vector_load %arg20[%get3A_547] {strides = array<i32>} : memref<768xf32, #tpu.memory_space<vmem>>, vector<16xf32>,
      %bitcast3A_549 = vector.bitcast %get3A_548 : vector<16xf32> to vector<16xi32>
      %get3A_550 = arith.constant 96 : index
      %get3A_551 = tpu.vector_load %arg20[%get3A_550] {strides = array<i32>} : memref<768xf32, #tpu.memory_space<vmem>>, vector<16xf32>,
      %get3A_552 = arith.constant 112 : index
      %get3A_553 = tpu.vector_load %arg20[%get3A_552] {strides = array<i32>} : memref<768xf32, #tpu.memory_space<vmem>>, vector<16xf32>,
      %bitcast3A_554 = vector.bitcast %get3A_553 : vector<16xf32> to vector<16xi32>
      %get3A_555 = arith.constant 128 : index
      %get3A_556 = tpu.vector_load %arg20[%get3A_555] {strides = array<i32>} : memref<768xf32, #tpu.memory_space<vmem>>, vector<16xf32>,
      %bitcast3A_557 = vector.bitcast %get3A_556 : vector<16xf32> to vector<16xi32>
      %get3A_558 = arith.constant 144 : index
      %get3A_559 = tpu.vector_load %arg20[%get3A_558] {strides = array<i32>} : memref<768xf32, #tpu.memory_space<vmem>>, vector<16xf32>,
      %get3A_560 = arith.constant 160 : index
      %get3A_561 = tpu.vector_load %arg20[%get3A_560] {strides = array<i32>} : memref<768xf32, #tpu.memory_space<vmem>>, vector<16xf32>,
      %bitcast3A_562 = vector.bitcast %get3A_561 : vector<16xf32> to vector<16xi32>
      %get3A_563 = arith.constant 176 : index
      %get3A_564 = tpu.vector_load %arg20[%get3A_563] {strides = array<i32>} : memref<768xf32, #tpu.memory_space<vmem>>, vector<16xf32>,
      %bitcast3A_565 = vector.bitcast %get3A_564 : vector<16xf32> to vector<16xi32>
      %get3A_566 = arith.constant 192 : index
      %get3A_567 = tpu.vector_load %arg20[%get3A_566] {strides = array<i32>} : memref<768xf32, #tpu.memory_space<vmem>>, vector<16xf32>,
      %get3A_568 = arith.constant 208 : index
      %get3A_569 = tpu.vector_load %arg20[%get3A_568] {strides = array<i32>} : memref<768xf32, #tpu.memory_space<vmem>>, vector<16xf32>,
      %bitcast3A_570 = vector.bitcast %get3A_569 : vector<16xf32> to vector<16xi32>
      %get3A_571 = arith.constant 224 : index
      %get3A_572 = tpu.vector_load %arg20[%get3A_571] {strides = array<i32>} : memref<768xf32, #tpu.memory_space<vmem>>, vector<16xf32>,
      %bitcast3A_573 = vector.bitcast %get3A_572 : vector<16xf32> to vector<16xi32>
      %get3A_574 = arith.constant 240 : index
      %get3A_575 = tpu.vector_load %arg20[%get3A_574] {strides = array<i32>} : memref<768xf32, #tpu.memory_space<vmem>>, vector<16xf32>,
      %get3A_576 = arith.constant 256 : index
      %get3A_577 = tpu.vector_load %arg20[%get3A_576] {strides = array<i32>} : memref<768xf32, #tpu.memory_space<vmem>>, vector<16xf32>,
      %bitcast3A_578 = vector.bitcast %get3A_577 : vector<16xf32> to vector<16xi32>
      %get3A_579 = arith.constant 272 : index
      %get3A_580 = tpu.vector_load %arg20[%get3A_579] {strides = array<i32>} : memref<768xf32, #tpu.memory_space<vmem>>, vector<16xf32>,
      %bitcast3A_581 = vector.bitcast %get3A_580 : vector<16xf32> to vector<16xi32>
      %get3A_582 = arith.constant 288 : index
      %get3A_583 = tpu.vector_load %arg20[%get3A_582] {strides = array<i32>} : memref<768xf32, #tpu.memory_space<vmem>>, vector<16xf32>,
      %get3A_584 = arith.constant 304 : index
      %get3A_585 = tpu.vector_load %arg20[%get3A_584] {strides = array<i32>} : memref<768xf32, #tpu.memory_space<vmem>>, vector<16xf32>,
      %bitcast3A_586 = vector.bitcast %get3A_585 : vector<16xf32> to vector<16xi32>
      %get3A_587 = arith.constant 320 : index
      %get3A_588 = tpu.vector_load %arg20[%get3A_587] {strides = array<i32>} : memref<768xf32, #tpu.memory_space<vmem>>, vector<16xf32>,
      %bitcast3A_589 = vector.bitcast %get3A_588 : vector<16xf32> to vector<16xi32>
      %get3A_590 = arith.constant 336 : index
      %get3A_591 = tpu.vector_load %arg20[%get3A_590] {strides = array<i32>} : memref<768xf32, #tpu.memory_space<vmem>>, vector<16xf32>,
      %get3A_592 = arith.constant 352 : index
      %get3A_593 = tpu.vector_load %arg20[%get3A_592] {strides = array<i32>} : memref<768xf32, #tpu.memory_space<vmem>>, vector<16xf32>,
      %bitcast3A_594 = vector.bitcast %get3A_593 : vector<16xf32> to vector<16xi32>
      %get3A_595 = arith.constant 368 : index
      %get3A_596 = tpu.vector_load %arg20[%get3A_595] {strides = array<i32>} : memref<768xf32, #tpu.memory_space<vmem>>, vector<16xf32>,
      %bitcast3A_597 = vector.bitcast %get3A_596 : vector<16xf32> to vector<16xi32>
      %get3A_598 = arith.constant 384 : index
      %get3A_599 = tpu.vector_load %arg20[%get3A_598] {strides = array<i32>} : memref<768xf32, #tpu.memory_space<vmem>>, vector<16xf32>,
      %get3A_600 = arith.constant 400 : index
      %get3A_601 = tpu.vector_load %arg20[%get3A_600] {strides = array<i32>} : memref<768xf32, #tpu.memory_space<vmem>>, vector<16xf32>,
      %bitcast3A_602 = vector.bitcast %get3A_601 : vector<16xf32> to vector<16xi32>
      %get3A_603 = arith.constant 416 : index
      %get3A_604 = tpu.vector_load %arg20[%get3A_603] {strides = array<i32>} : memref<768xf32, #tpu.memory_space<vmem>>, vector<16xf32>,
      %bitcast3A_605 = vector.bitcast %get3A_604 : vector<16xf32> to vector<16xi32>
      %get3A_606 = arith.constant 432 : index
      %get3A_607 = tpu.vector_load %arg20[%get3A_606] {strides = array<i32>} : memref<768xf32, #tpu.memory_space<vmem>>, vector<16xf32>,
      %get3A_608 = arith.constant 448 : index
      %get3A_609 = tpu.vector_load %arg20[%get3A_608] {strides = array<i32>} : memref<768xf32, #tpu.memory_space<vmem>>, vector<16xf32>,
      %bitcast3A_610 = vector.bitcast %get3A_609 : vector<16xf32> to vector<16xi32>
      %get3A_611 = arith.constant 464 : index
      %get3A_612 = tpu.vector_load %arg20[%get3A_611] {strides = array<i32>} : memref<768xf32, #tpu.memory_space<vmem>>, vector<16xf32>,
      %bitcast3A_613 = vector.bitcast %get3A_612 : vector<16xf32> to vector<16xi32>
      %get3A_614 = arith.constant 480 : index
      %get3A_615 = tpu.vector_load %arg20[%get3A_614] {strides = array<i32>} : memref<768xf32, #tpu.memory_space<vmem>>, vector<16xf32>,
      %get3A_616 = arith.constant 496 : index
      %get3A_617 = tpu.vector_load %arg20[%get3A_616] {strides = array<i32>} : memref<768xf32, #tpu.memory_space<vmem>>, vector<16xf32>,
      %bitcast3A_618 = vector.bitcast %get3A_617 : vector<16xf32> to vector<16xi32>
      %get3A_619 = arith.constant 512 : index
      %get3A_620 = tpu.vector_load %arg20[%get3A_619] {strides = array<i32>} : memref<768xf32, #tpu.memory_space<vmem>>, vector<16xf32>,
      %bitcast3A_621 = vector.bitcast %get3A_620 : vector<16xf32> to vector<16xi32>
      %get3A_622 = arith.constant 528 : index
      %get3A_623 = tpu.vector_load %arg20[%get3A_622] {strides = array<i32>} : memref<768xf32, #tpu.memory_space<vmem>>, vector<16xf32>,
      %get3A_624 = arith.constant 544 : index
      %get3A_625 = tpu.vector_load %arg20[%get3A_624] {strides = array<i32>} : memref<768xf32, #tpu.memory_space<vmem>>, vector<16xf32>,
      %bitcast3A_626 = vector.bitcast %get3A_625 : vector<16xf32> to vector<16xi32>
      %get3A_627 = arith.constant 560 : index
      %get3A_628 = tpu.vector_load %arg20[%get3A_627] {strides = array<i32>} : memref<768xf32, #tpu.memory_space<vmem>>, vector<16xf32>,
      %bitcast3A_629 = vector.bitcast %get3A_628 : vector<16xf32> to vector<16xi32>
      %get3A_630 = arith.constant 576 : index
      %get3A_631 = tpu.vector_load %arg20[%get3A_630] {strides = array<i32>} : memref<768xf32, #tpu.memory_space<vmem>>, vector<16xf32>,
      %get3A_632 = arith.constant 592 : index
      %get3A_633 = tpu.vector_load %arg20[%get3A_632] {strides = array<i32>} : memref<768xf32, #tpu.memory_space<vmem>>, vector<16xf32>,
      %bitcast3A_634 = vector.bitcast %get3A_633 : vector<16xf32> to vector<16xi32>
      %get3A_635 = arith.constant 608 : index
      %get3A_636 = tpu.vector_load %arg20[%get3A_635] {strides = array<i32>} : memref<768xf32, #tpu.memory_space<vmem>>, vector<16xf32>,
      %bitcast3A_637 = vector.bitcast %get3A_636 : vector<16xf32> to vector<16xi32>
      %get3A_638 = arith.constant 624 : index
      %get3A_639 = tpu.vector_load %arg20[%get3A_638] {strides = array<i32>} : memref<768xf32, #tpu.memory_space<vmem>>, vector<16xf32>,
      %get3A_640 = arith.constant 640 : index
      %get3A_641 = tpu.vector_load %arg20[%get3A_640] {strides = array<i32>} : memref<768xf32, #tpu.memory_space<vmem>>, vector<16xf32>,
      %bitcast3A_642 = vector.bitcast %get3A_641 : vector<16xf32> to vector<16xi32>
      %get3A_643 = arith.constant 656 : index
      %get3A_644 = tpu.vector_load %arg20[%get3A_643] {strides = array<i32>} : memref<768xf32, #tpu.memory_space<vmem>>, vector<16xf32>,
      %bitcast3A_645 = vector.bitcast %get3A_644 : vector<16xf32> to vector<16xi32>
      %get3A_646 = arith.constant 672 : index
      %get3A_647 = tpu.vector_load %arg20[%get3A_646] {strides = array<i32>} : memref<768xf32, #tpu.memory_space<vmem>>, vector<16xf32>,
      %get3A_648 = arith.constant 688 : index
      %get3A_649 = tpu.vector_load %arg20[%get3A_648] {strides = array<i32>} : memref<768xf32, #tpu.memory_space<vmem>>, vector<16xf32>,
      %bitcast3A_650 = vector.bitcast %get3A_649 : vector<16xf32> to vector<16xi32>
      %get3A_651 = arith.constant 704 : index
      %get3A_652 = tpu.vector_load %arg20[%get3A_651] {strides = array<i32>} : memref<768xf32, #tpu.memory_space<vmem>>, vector<16xf32>,
      %bitcast3A_653 = vector.bitcast %get3A_652 : vector<16xf32> to vector<16xi32>
      %get3A_654 = arith.constant 720 : index
      %get3A_655 = tpu.vector_load %arg20[%get3A_654] {strides = array<i32>} : memref<768xf32, #tpu.memory_space<vmem>>, vector<16xf32>,
      %get3A_656 = arith.constant 736 : index
      %get3A_657 = tpu.vector_load %arg20[%get3A_656] {strides = array<i32>} : memref<768xf32, #tpu.memory_space<vmem>>, vector<16xf32>,
      %bitcast3A_658 = vector.bitcast %get3A_657 : vector<16xf32> to vector<16xi32>
      %get3A_659 = arith.constant 752 : index
      %get3A_660 = tpu.vector_load %arg20[%get3A_659] {strides = array<i32>} : memref<768xf32, #tpu.memory_space<vmem>>, vector<16xf32>,
      %bitcast3A_661 = vector.bitcast %get3A_660 : vector<16xf32> to vector<16xi32>
      %min3A_662 = arith.minimumf %get3A_536, %get3A_543 : vector<16xf32>
      %min3A_663 = arith.minimumf %min3A_662, %get3A_551 : vector<16xf32>
      %min3A_664 = arith.minimumf %min3A_663, %get3A_559 : vector<16xf32>
      %min3A_665 = arith.minimumf %min3A_664, %get3A_567 : vector<16xf32>
      %min3A_666 = arith.minimumf %min3A_665, %get3A_575 : vector<16xf32>
      %min3A_667 = arith.minimumf %min3A_666, %get3A_583 : vector<16xf32>
      %min3A_668 = arith.minimumf %min3A_667, %get3A_591 : vector<16xf32>
      %min3A_669 = arith.minimumf %min3A_668, %get3A_599 : vector<16xf32>
      %min3A_670 = arith.minimumf %min3A_669, %get3A_607 : vector<16xf32>
      %min3A_671 = arith.minimumf %min3A_670, %get3A_615 : vector<16xf32>
      %min3A_672 = arith.minimumf %min3A_671, %get3A_623 : vector<16xf32>
      %min3A_673 = arith.minimumf %min3A_672, %get3A_631 : vector<16xf32>
      %min3A_674 = arith.minimumf %min3A_673, %get3A_639 : vector<16xf32>
      %min3A_675 = arith.minimumf %min3A_674, %get3A_647 : vector<16xf32>
      %min3A_676 = arith.minimumf %min3A_675, %get3A_655 : vector<16xf32>
      %reduce_min3A = arith.constant true
      %reduce_min3A_677 = vector.broadcast %reduce_min3A : i1 to vector<16xi1>
      %reduce_min3A_678 = tpu.scan <min>, %min3A_676 masked %reduce_min3A_677 : vector<16xf32>, vector<16xi1> -> vector<16xf32>
      %reduce_min3A_679 = vector.extract %reduce_min3A_678[15] : f32 from vector<16xf32>
      %broadcast_in_dim3A_680 = arith.constant 1073741824 : i32
      %broadcast_in_dim3A_681 = vector.broadcast %broadcast_in_dim3A_680 : i32 to vector<16xi32>
      %eq3A_682 = vector.broadcast %reduce_min3A_679 : f32 to vector<16xf32>
      %eq3A_683 = arith.cmpf oeq, %get3A_536, %eq3A_682 : vector<16xf32>
      %jit3A = arith.constant 1073741824 : i32
      %broadcast_in_dim3A_684 = vector.broadcast %jit3A : i32 to vector<16xi32>
      %select_n3A = arith.select %eq3A_683, %bitcast3A, %broadcast_in_dim3A_684 : vector<16xi1>, vector<16xi32>
      %min3A_685 = arith.minsi %broadcast_in_dim3A_681, %select_n3A : vector<16xi32>
      %eq3A_686 = vector.broadcast %reduce_min3A_679 : f32 to vector<16xf32>
      %eq3A_687 = arith.cmpf oeq, %get3A_543, %eq3A_686 : vector<16xf32>
      %jit3A_688 = arith.constant 1073741824 : i32
      %broadcast_in_dim3A_689 = vector.broadcast %jit3A_688 : i32 to vector<16xi32>
      %select_n3A_690 = arith.select %eq3A_687, %bitcast3A_546, %broadcast_in_dim3A_689 : vector<16xi1>, vector<16xi32>
      %min3A_691 = arith.minsi %min3A_685, %select_n3A_690 : vector<16xi32>
      %eq3A_692 = vector.broadcast %reduce_min3A_679 : f32 to vector<16xf32>
      %eq3A_693 = arith.cmpf oeq, %get3A_551, %eq3A_692 : vector<16xf32>
      %jit3A_694 = arith.constant 1073741824 : i32
      %broadcast_in_dim3A_695 = vector.broadcast %jit3A_694 : i32 to vector<16xi32>
      %select_n3A_696 = arith.select %eq3A_693, %bitcast3A_554, %broadcast_in_dim3A_695 : vector<16xi1>, vector<16xi32>
      %min3A_697 = arith.minsi %min3A_691, %select_n3A_696 : vector<16xi32>
      %eq3A_698 = vector.broadcast %reduce_min3A_679 : f32 to vector<16xf32>
      %eq3A_699 = arith.cmpf oeq, %get3A_559, %eq3A_698 : vector<16xf32>
      %jit3A_700 = arith.constant 1073741824 : i32
      %broadcast_in_dim3A_701 = vector.broadcast %jit3A_700 : i32 to vector<16xi32>
      %select_n3A_702 = arith.select %eq3A_699, %bitcast3A_562, %broadcast_in_dim3A_701 : vector<16xi1>, vector<16xi32>
      %min3A_703 = arith.minsi %min3A_697, %select_n3A_702 : vector<16xi32>
      %eq3A_704 = vector.broadcast %reduce_min3A_679 : f32 to vector<16xf32>
      %eq3A_705 = arith.cmpf oeq, %get3A_567, %eq3A_704 : vector<16xf32>
      %jit3A_706 = arith.constant 1073741824 : i32
      %broadcast_in_dim3A_707 = vector.broadcast %jit3A_706 : i32 to vector<16xi32>
      %select_n3A_708 = arith.select %eq3A_705, %bitcast3A_570, %broadcast_in_dim3A_707 : vector<16xi1>, vector<16xi32>
      %min3A_709 = arith.minsi %min3A_703, %select_n3A_708 : vector<16xi32>
      %eq3A_710 = vector.broadcast %reduce_min3A_679 : f32 to vector<16xf32>
      %eq3A_711 = arith.cmpf oeq, %get3A_575, %eq3A_710 : vector<16xf32>
      %jit3A_712 = arith.constant 1073741824 : i32
      %broadcast_in_dim3A_713 = vector.broadcast %jit3A_712 : i32 to vector<16xi32>
      %select_n3A_714 = arith.select %eq3A_711, %bitcast3A_578, %broadcast_in_dim3A_713 : vector<16xi1>, vector<16xi32>
      %min3A_715 = arith.minsi %min3A_709, %select_n3A_714 : vector<16xi32>
      %eq3A_716 = vector.broadcast %reduce_min3A_679 : f32 to vector<16xf32>
      %eq3A_717 = arith.cmpf oeq, %get3A_583, %eq3A_716 : vector<16xf32>
      %jit3A_718 = arith.constant 1073741824 : i32
      %broadcast_in_dim3A_719 = vector.broadcast %jit3A_718 : i32 to vector<16xi32>
      %select_n3A_720 = arith.select %eq3A_717, %bitcast3A_586, %broadcast_in_dim3A_719 : vector<16xi1>, vector<16xi32>
      %min3A_721 = arith.minsi %min3A_715, %select_n3A_720 : vector<16xi32>
      %eq3A_722 = vector.broadcast %reduce_min3A_679 : f32 to vector<16xf32>
      %eq3A_723 = arith.cmpf oeq, %get3A_591, %eq3A_722 : vector<16xf32>
      %jit3A_724 = arith.constant 1073741824 : i32
      %broadcast_in_dim3A_725 = vector.broadcast %jit3A_724 : i32 to vector<16xi32>
      %select_n3A_726 = arith.select %eq3A_723, %bitcast3A_594, %broadcast_in_dim3A_725 : vector<16xi1>, vector<16xi32>
      %min3A_727 = arith.minsi %min3A_721, %select_n3A_726 : vector<16xi32>
      %eq3A_728 = vector.broadcast %reduce_min3A_679 : f32 to vector<16xf32>
      %eq3A_729 = arith.cmpf oeq, %get3A_599, %eq3A_728 : vector<16xf32>
      %jit3A_730 = arith.constant 1073741824 : i32
      %broadcast_in_dim3A_731 = vector.broadcast %jit3A_730 : i32 to vector<16xi32>
      %select_n3A_732 = arith.select %eq3A_729, %bitcast3A_602, %broadcast_in_dim3A_731 : vector<16xi1>, vector<16xi32>
      %min3A_733 = arith.minsi %min3A_727, %select_n3A_732 : vector<16xi32>
      %eq3A_734 = vector.broadcast %reduce_min3A_679 : f32 to vector<16xf32>
      %eq3A_735 = arith.cmpf oeq, %get3A_607, %eq3A_734 : vector<16xf32>
      %jit3A_736 = arith.constant 1073741824 : i32
      %broadcast_in_dim3A_737 = vector.broadcast %jit3A_736 : i32 to vector<16xi32>
      %select_n3A_738 = arith.select %eq3A_735, %bitcast3A_610, %broadcast_in_dim3A_737 : vector<16xi1>, vector<16xi32>
      %min3A_739 = arith.minsi %min3A_733, %select_n3A_738 : vector<16xi32>
      %eq3A_740 = vector.broadcast %reduce_min3A_679 : f32 to vector<16xf32>
      %eq3A_741 = arith.cmpf oeq, %get3A_615, %eq3A_740 : vector<16xf32>
      %jit3A_742 = arith.constant 1073741824 : i32
      %broadcast_in_dim3A_743 = vector.broadcast %jit3A_742 : i32 to vector<16xi32>
      %select_n3A_744 = arith.select %eq3A_741, %bitcast3A_618, %broadcast_in_dim3A_743 : vector<16xi1>, vector<16xi32>
      %min3A_745 = arith.minsi %min3A_739, %select_n3A_744 : vector<16xi32>
      %eq3A_746 = vector.broadcast %reduce_min3A_679 : f32 to vector<16xf32>
      %eq3A_747 = arith.cmpf oeq, %get3A_623, %eq3A_746 : vector<16xf32>
      %jit3A_748 = arith.constant 1073741824 : i32
      %broadcast_in_dim3A_749 = vector.broadcast %jit3A_748 : i32 to vector<16xi32>
      %select_n3A_750 = arith.select %eq3A_747, %bitcast3A_626, %broadcast_in_dim3A_749 : vector<16xi1>, vector<16xi32>
      %min3A_751 = arith.minsi %min3A_745, %select_n3A_750 : vector<16xi32>
      %eq3A_752 = vector.broadcast %reduce_min3A_679 : f32 to vector<16xf32>
      %eq3A_753 = arith.cmpf oeq, %get3A_631, %eq3A_752 : vector<16xf32>
      %jit3A_754 = arith.constant 1073741824 : i32
      %broadcast_in_dim3A_755 = vector.broadcast %jit3A_754 : i32 to vector<16xi32>
      %select_n3A_756 = arith.select %eq3A_753, %bitcast3A_634, %broadcast_in_dim3A_755 : vector<16xi1>, vector<16xi32>
      %min3A_757 = arith.minsi %min3A_751, %select_n3A_756 : vector<16xi32>
      %eq3A_758 = vector.broadcast %reduce_min3A_679 : f32 to vector<16xf32>
      %eq3A_759 = arith.cmpf oeq, %get3A_639, %eq3A_758 : vector<16xf32>
      %jit3A_760 = arith.constant 1073741824 : i32
      %broadcast_in_dim3A_761 = vector.broadcast %jit3A_760 : i32 to vector<16xi32>
      %select_n3A_762 = arith.select %eq3A_759, %bitcast3A_642, %broadcast_in_dim3A_761 : vector<16xi1>, vector<16xi32>
      %min3A_763 = arith.minsi %min3A_757, %select_n3A_762 : vector<16xi32>
      %eq3A_764 = vector.broadcast %reduce_min3A_679 : f32 to vector<16xf32>
      %eq3A_765 = arith.cmpf oeq, %get3A_647, %eq3A_764 : vector<16xf32>
      %jit3A_766 = arith.constant 1073741824 : i32
      %broadcast_in_dim3A_767 = vector.broadcast %jit3A_766 : i32 to vector<16xi32>
      %select_n3A_768 = arith.select %eq3A_765, %bitcast3A_650, %broadcast_in_dim3A_767 : vector<16xi1>, vector<16xi32>
      %min3A_769 = arith.minsi %min3A_763, %select_n3A_768 : vector<16xi32>
      %eq3A_770 = vector.broadcast %reduce_min3A_679 : f32 to vector<16xf32>
      %eq3A_771 = arith.cmpf oeq, %get3A_655, %eq3A_770 : vector<16xf32>
      %jit3A_772 = arith.constant 1073741824 : i32
      %broadcast_in_dim3A_773 = vector.broadcast %jit3A_772 : i32 to vector<16xi32>
      %select_n3A_774 = arith.select %eq3A_771, %bitcast3A_658, %broadcast_in_dim3A_773 : vector<16xi1>, vector<16xi32>
      %min3A_775 = arith.minsi %min3A_769, %select_n3A_774 : vector<16xi32>
      %reduce_min3A_776 = arith.constant true
      %reduce_min3A_777 = vector.broadcast %reduce_min3A_776 : i1 to vector<16xi1>
      %reduce_min3A_778 = arith.constant -2147483648 : i32
      %reduce_min3A_779 = vector.broadcast %reduce_min3A_778 : i32 to vector<16xi32>
      %reduce_min3A_780 = arith.xori %min3A_775, %reduce_min3A_779 : vector<16xi32>
      %reduce_min3A_781 = tpu.scan <min>, %reduce_min3A_780 masked %reduce_min3A_777 : vector<16xi32>, vector<16xi1> -> vector<16xi32>
      %reduce_min3A_782 = arith.xori %reduce_min3A_781, %reduce_min3A_779 : vector<16xi32>
      %reduce_min3A_783 = vector.extract %reduce_min3A_782[15] : i32 from vector<16xi32>
      %broadcast_in_dim3A_784 = arith.constant 1073741824 : i32
      %broadcast_in_dim3A_785 = vector.broadcast %broadcast_in_dim3A_784 : i32 to vector<16xi32>
      %eq3A_786 = vector.broadcast %reduce_min3A_679 : f32 to vector<16xf32>
      %eq3A_787 = arith.cmpf oeq, %get3A_536, %eq3A_786 : vector<16xf32>
      %eq3A_788 = vector.broadcast %reduce_min3A_783 : i32 to vector<16xi32>
      %eq3A_789 = arith.cmpi eq, %bitcast3A, %eq3A_788 : vector<16xi32>
      %and3A = arith.andi %eq3A_787, %eq3A_789 : vector<16xi1>
      %jit3A_790 = arith.constant 1073741824 : i32
      %broadcast_in_dim3A_791 = vector.broadcast %jit3A_790 : i32 to vector<16xi32>
      %select_n3A_792 = arith.select %and3A, %bitcast3A_541, %broadcast_in_dim3A_791 : vector<16xi1>, vector<16xi32>
      %min3A_793 = arith.minsi %broadcast_in_dim3A_785, %select_n3A_792 : vector<16xi32>
      %eq3A_794 = vector.broadcast %reduce_min3A_679 : f32 to vector<16xf32>
      %eq3A_795 = arith.cmpf oeq, %get3A_543, %eq3A_794 : vector<16xf32>
      %eq3A_796 = vector.broadcast %reduce_min3A_783 : i32 to vector<16xi32>
      %eq3A_797 = arith.cmpi eq, %bitcast3A_546, %eq3A_796 : vector<16xi32>
      %and3A_798 = arith.andi %eq3A_795, %eq3A_797 : vector<16xi1>
      %jit3A_799 = arith.constant 1073741824 : i32
      %broadcast_in_dim3A_800 = vector.broadcast %jit3A_799 : i32 to vector<16xi32>
      %select_n3A_801 = arith.select %and3A_798, %bitcast3A_549, %broadcast_in_dim3A_800 : vector<16xi1>, vector<16xi32>
      %min3A_802 = arith.minsi %min3A_793, %select_n3A_801 : vector<16xi32>
      %eq3A_803 = vector.broadcast %reduce_min3A_679 : f32 to vector<16xf32>
      %eq3A_804 = arith.cmpf oeq, %get3A_551, %eq3A_803 : vector<16xf32>
      %eq3A_805 = vector.broadcast %reduce_min3A_783 : i32 to vector<16xi32>
      %eq3A_806 = arith.cmpi eq, %bitcast3A_554, %eq3A_805 : vector<16xi32>
      %and3A_807 = arith.andi %eq3A_804, %eq3A_806 : vector<16xi1>
      %jit3A_808 = arith.constant 1073741824 : i32
      %broadcast_in_dim3A_809 = vector.broadcast %jit3A_808 : i32 to vector<16xi32>
      %select_n3A_810 = arith.select %and3A_807, %bitcast3A_557, %broadcast_in_dim3A_809 : vector<16xi1>, vector<16xi32>
      %min3A_811 = arith.minsi %min3A_802, %select_n3A_810 : vector<16xi32>
      %eq3A_812 = vector.broadcast %reduce_min3A_679 : f32 to vector<16xf32>
      %eq3A_813 = arith.cmpf oeq, %get3A_559, %eq3A_812 : vector<16xf32>
      %eq3A_814 = vector.broadcast %reduce_min3A_783 : i32 to vector<16xi32>
      %eq3A_815 = arith.cmpi eq, %bitcast3A_562, %eq3A_814 : vector<16xi32>
      %and3A_816 = arith.andi %eq3A_813, %eq3A_815 : vector<16xi1>
      %jit3A_817 = arith.constant 1073741824 : i32
      %broadcast_in_dim3A_818 = vector.broadcast %jit3A_817 : i32 to vector<16xi32>
      %select_n3A_819 = arith.select %and3A_816, %bitcast3A_565, %broadcast_in_dim3A_818 : vector<16xi1>, vector<16xi32>
      %min3A_820 = arith.minsi %min3A_811, %select_n3A_819 : vector<16xi32>
      %eq3A_821 = vector.broadcast %reduce_min3A_679 : f32 to vector<16xf32>
      %eq3A_822 = arith.cmpf oeq, %get3A_567, %eq3A_821 : vector<16xf32>
      %eq3A_823 = vector.broadcast %reduce_min3A_783 : i32 to vector<16xi32>
      %eq3A_824 = arith.cmpi eq, %bitcast3A_570, %eq3A_823 : vector<16xi32>
      %and3A_825 = arith.andi %eq3A_822, %eq3A_824 : vector<16xi1>
      %jit3A_826 = arith.constant 1073741824 : i32
      %broadcast_in_dim3A_827 = vector.broadcast %jit3A_826 : i32 to vector<16xi32>
      %select_n3A_828 = arith.select %and3A_825, %bitcast3A_573, %broadcast_in_dim3A_827 : vector<16xi1>, vector<16xi32>
      %min3A_829 = arith.minsi %min3A_820, %select_n3A_828 : vector<16xi32>
      %eq3A_830 = vector.broadcast %reduce_min3A_679 : f32 to vector<16xf32>
      %eq3A_831 = arith.cmpf oeq, %get3A_575, %eq3A_830 : vector<16xf32>
      %eq3A_832 = vector.broadcast %reduce_min3A_783 : i32 to vector<16xi32>
      %eq3A_833 = arith.cmpi eq, %bitcast3A_578, %eq3A_832 : vector<16xi32>
      %and3A_834 = arith.andi %eq3A_831, %eq3A_833 : vector<16xi1>
      %jit3A_835 = arith.constant 1073741824 : i32
      %broadcast_in_dim3A_836 = vector.broadcast %jit3A_835 : i32 to vector<16xi32>
      %select_n3A_837 = arith.select %and3A_834, %bitcast3A_581, %broadcast_in_dim3A_836 : vector<16xi1>, vector<16xi32>
      %min3A_838 = arith.minsi %min3A_829, %select_n3A_837 : vector<16xi32>
      %eq3A_839 = vector.broadcast %reduce_min3A_679 : f32 to vector<16xf32>
      %eq3A_840 = arith.cmpf oeq, %get3A_583, %eq3A_839 : vector<16xf32>
      %eq3A_841 = vector.broadcast %reduce_min3A_783 : i32 to vector<16xi32>
      %eq3A_842 = arith.cmpi eq, %bitcast3A_586, %eq3A_841 : vector<16xi32>
      %and3A_843 = arith.andi %eq3A_840, %eq3A_842 : vector<16xi1>
      %jit3A_844 = arith.constant 1073741824 : i32
      %broadcast_in_dim3A_845 = vector.broadcast %jit3A_844 : i32 to vector<16xi32>
      %select_n3A_846 = arith.select %and3A_843, %bitcast3A_589, %broadcast_in_dim3A_845 : vector<16xi1>, vector<16xi32>
      %min3A_847 = arith.minsi %min3A_838, %select_n3A_846 : vector<16xi32>
      %eq3A_848 = vector.broadcast %reduce_min3A_679 : f32 to vector<16xf32>
      %eq3A_849 = arith.cmpf oeq, %get3A_591, %eq3A_848 : vector<16xf32>
      %eq3A_850 = vector.broadcast %reduce_min3A_783 : i32 to vector<16xi32>
      %eq3A_851 = arith.cmpi eq, %bitcast3A_594, %eq3A_850 : vector<16xi32>
      %and3A_852 = arith.andi %eq3A_849, %eq3A_851 : vector<16xi1>
      %jit3A_853 = arith.constant 1073741824 : i32
      %broadcast_in_dim3A_854 = vector.broadcast %jit3A_853 : i32 to vector<16xi32>
      %select_n3A_855 = arith.select %and3A_852, %bitcast3A_597, %broadcast_in_dim3A_854 : vector<16xi1>, vector<16xi32>
      %min3A_856 = arith.minsi %min3A_847, %select_n3A_855 : vector<16xi32>
      %eq3A_857 = vector.broadcast %reduce_min3A_679 : f32 to vector<16xf32>
      %eq3A_858 = arith.cmpf oeq, %get3A_599, %eq3A_857 : vector<16xf32>
      %eq3A_859 = vector.broadcast %reduce_min3A_783 : i32 to vector<16xi32>
      %eq3A_860 = arith.cmpi eq, %bitcast3A_602, %eq3A_859 : vector<16xi32>
      %and3A_861 = arith.andi %eq3A_858, %eq3A_860 : vector<16xi1>
      %jit3A_862 = arith.constant 1073741824 : i32
      %broadcast_in_dim3A_863 = vector.broadcast %jit3A_862 : i32 to vector<16xi32>
      %select_n3A_864 = arith.select %and3A_861, %bitcast3A_605, %broadcast_in_dim3A_863 : vector<16xi1>, vector<16xi32>
      %min3A_865 = arith.minsi %min3A_856, %select_n3A_864 : vector<16xi32>
      %eq3A_866 = vector.broadcast %reduce_min3A_679 : f32 to vector<16xf32>
      %eq3A_867 = arith.cmpf oeq, %get3A_607, %eq3A_866 : vector<16xf32>
      %eq3A_868 = vector.broadcast %reduce_min3A_783 : i32 to vector<16xi32>
      %eq3A_869 = arith.cmpi eq, %bitcast3A_610, %eq3A_868 : vector<16xi32>
      %and3A_870 = arith.andi %eq3A_867, %eq3A_869 : vector<16xi1>
      %jit3A_871 = arith.constant 1073741824 : i32
      %broadcast_in_dim3A_872 = vector.broadcast %jit3A_871 : i32 to vector<16xi32>
      %select_n3A_873 = arith.select %and3A_870, %bitcast3A_613, %broadcast_in_dim3A_872 : vector<16xi1>, vector<16xi32>
      %min3A_874 = arith.minsi %min3A_865, %select_n3A_873 : vector<16xi32>
      %eq3A_875 = vector.broadcast %reduce_min3A_679 : f32 to vector<16xf32>
      %eq3A_876 = arith.cmpf oeq, %get3A_615, %eq3A_875 : vector<16xf32>
      %eq3A_877 = vector.broadcast %reduce_min3A_783 : i32 to vector<16xi32>
      %eq3A_878 = arith.cmpi eq, %bitcast3A_618, %eq3A_877 : vector<16xi32>
      %and3A_879 = arith.andi %eq3A_876, %eq3A_878 : vector<16xi1>
      %jit3A_880 = arith.constant 1073741824 : i32
      %broadcast_in_dim3A_881 = vector.broadcast %jit3A_880 : i32 to vector<16xi32>
      %select_n3A_882 = arith.select %and3A_879, %bitcast3A_621, %broadcast_in_dim3A_881 : vector<16xi1>, vector<16xi32>
      %min3A_883 = arith.minsi %min3A_874, %select_n3A_882 : vector<16xi32>
      %eq3A_884 = vector.broadcast %reduce_min3A_679 : f32 to vector<16xf32>
      %eq3A_885 = arith.cmpf oeq, %get3A_623, %eq3A_884 : vector<16xf32>
      %eq3A_886 = vector.broadcast %reduce_min3A_783 : i32 to vector<16xi32>
      %eq3A_887 = arith.cmpi eq, %bitcast3A_626, %eq3A_886 : vector<16xi32>
      %and3A_888 = arith.andi %eq3A_885, %eq3A_887 : vector<16xi1>
      %jit3A_889 = arith.constant 1073741824 : i32
      %broadcast_in_dim3A_890 = vector.broadcast %jit3A_889 : i32 to vector<16xi32>
      %select_n3A_891 = arith.select %and3A_888, %bitcast3A_629, %broadcast_in_dim3A_890 : vector<16xi1>, vector<16xi32>
      %min3A_892 = arith.minsi %min3A_883, %select_n3A_891 : vector<16xi32>
      %eq3A_893 = vector.broadcast %reduce_min3A_679 : f32 to vector<16xf32>
      %eq3A_894 = arith.cmpf oeq, %get3A_631, %eq3A_893 : vector<16xf32>
      %eq3A_895 = vector.broadcast %reduce_min3A_783 : i32 to vector<16xi32>
      %eq3A_896 = arith.cmpi eq, %bitcast3A_634, %eq3A_895 : vector<16xi32>
      %and3A_897 = arith.andi %eq3A_894, %eq3A_896 : vector<16xi1>
      %jit3A_898 = arith.constant 1073741824 : i32
      %broadcast_in_dim3A_899 = vector.broadcast %jit3A_898 : i32 to vector<16xi32>
      %select_n3A_900 = arith.select %and3A_897, %bitcast3A_637, %broadcast_in_dim3A_899 : vector<16xi1>, vector<16xi32>
      %min3A_901 = arith.minsi %min3A_892, %select_n3A_900 : vector<16xi32>
      %eq3A_902 = vector.broadcast %reduce_min3A_679 : f32 to vector<16xf32>
      %eq3A_903 = arith.cmpf oeq, %get3A_639, %eq3A_902 : vector<16xf32>
      %eq3A_904 = vector.broadcast %reduce_min3A_783 : i32 to vector<16xi32>
      %eq3A_905 = arith.cmpi eq, %bitcast3A_642, %eq3A_904 : vector<16xi32>
      %and3A_906 = arith.andi %eq3A_903, %eq3A_905 : vector<16xi1>
      %jit3A_907 = arith.constant 1073741824 : i32
      %broadcast_in_dim3A_908 = vector.broadcast %jit3A_907 : i32 to vector<16xi32>
      %select_n3A_909 = arith.select %and3A_906, %bitcast3A_645, %broadcast_in_dim3A_908 : vector<16xi1>, vector<16xi32>
      %min3A_910 = arith.minsi %min3A_901, %select_n3A_909 : vector<16xi32>
      %eq3A_911 = vector.broadcast %reduce_min3A_679 : f32 to vector<16xf32>
      %eq3A_912 = arith.cmpf oeq, %get3A_647, %eq3A_911 : vector<16xf32>
      %eq3A_913 = vector.broadcast %reduce_min3A_783 : i32 to vector<16xi32>
      %eq3A_914 = arith.cmpi eq, %bitcast3A_650, %eq3A_913 : vector<16xi32>
      %and3A_915 = arith.andi %eq3A_912, %eq3A_914 : vector<16xi1>
      %jit3A_916 = arith.constant 1073741824 : i32
      %broadcast_in_dim3A_917 = vector.broadcast %jit3A_916 : i32 to vector<16xi32>
      %select_n3A_918 = arith.select %and3A_915, %bitcast3A_653, %broadcast_in_dim3A_917 : vector<16xi1>, vector<16xi32>
      %min3A_919 = arith.minsi %min3A_910, %select_n3A_918 : vector<16xi32>
      %eq3A_920 = vector.broadcast %reduce_min3A_679 : f32 to vector<16xf32>
      %eq3A_921 = arith.cmpf oeq, %get3A_655, %eq3A_920 : vector<16xf32>
      %eq3A_922 = vector.broadcast %reduce_min3A_783 : i32 to vector<16xi32>
      %eq3A_923 = arith.cmpi eq, %bitcast3A_658, %eq3A_922 : vector<16xi32>
      %and3A_924 = arith.andi %eq3A_921, %eq3A_923 : vector<16xi1>
      %jit3A_925 = arith.constant 1073741824 : i32
      %broadcast_in_dim3A_926 = vector.broadcast %jit3A_925 : i32 to vector<16xi32>
      %select_n3A_927 = arith.select %and3A_924, %bitcast3A_661, %broadcast_in_dim3A_926 : vector<16xi1>, vector<16xi32>
      %min3A_928 = arith.minsi %min3A_919, %select_n3A_927 : vector<16xi32>
      %reduce_min3A_929 = arith.constant true
      %reduce_min3A_930 = vector.broadcast %reduce_min3A_929 : i1 to vector<16xi1>
      %reduce_min3A_931 = arith.constant -2147483648 : i32
      %reduce_min3A_932 = vector.broadcast %reduce_min3A_931 : i32 to vector<16xi32>
      %reduce_min3A_933 = arith.xori %min3A_928, %reduce_min3A_932 : vector<16xi32>
      %reduce_min3A_934 = tpu.scan <min>, %reduce_min3A_933 masked %reduce_min3A_930 : vector<16xi32>, vector<16xi1> -> vector<16xi32>
      %reduce_min3A_935 = arith.xori %reduce_min3A_934, %reduce_min3A_932 : vector<16xi32>
      %reduce_min3A_936 = vector.extract %reduce_min3A_935[15] : i32 from vector<16xi32>
      %broadcast_in_dim3A_937 = vector.broadcast %reduce_min3A_936 : i32 to vector<16xi32>
      %swap3A_938 = arith.constant 0 : index
      %swap3A_939 = tpu.vector_load %arg18[%swap3A_938] {strides = array<i32>} : memref<16xi32, #tpu.memory_space<vmem>>, vector<16xi32>,
      tpu.vector_store %arg18[%swap3A_938], %broadcast_in_dim3A_937 {strides = array<i32>} : memref<16xi32, #tpu.memory_space<vmem>>, vector<16xi32>,
      "tpu.region"() ({
        %run_scoped3A = tpu.sem_alloc : memref<!tpu.dma_semaphore, #tpu.memory_space<semaphore_mem>>
        tpu.enqueue_dma source(%arg18 : memref<16xi32, #tpu.memory_space<vmem>>) target(%arg8 : memref<16xi32, #tpu.memory_space<hbm>>) target_semaphore(%run_scoped3A : memref<!tpu.dma_semaphore, #tpu.memory_space<semaphore_mem>>)
        tpu.wait_dma2 semaphore(%run_scoped3A : memref<!tpu.dma_semaphore, #tpu.memory_space<semaphore_mem>>) src(%arg18 : memref<16xi32, #tpu.memory_space<vmem>>) dst(%arg8 : memref<16xi32, #tpu.memory_space<hbm>>)
        tpu.yield
      }) : () -> ()
    } else {
    }
    %gt3A = arith.constant 0 : i32
    %gt3A_531 = arith.cmpi sgt, %add3A, %gt3A : i32
    %convert_element_type3A_532 = arith.extui %gt3A_531 : i1 to i32
    %cond3A_533 = arith.constant 0 : i32
    %cond3A_534 = arith.cmpi ne, %convert_element_type3A_532, %cond3A_533 : i32
    scf.if %cond3A_534 {
      "tpu.region"() ({
        %run_scoped3A = tpu.sem_alloc : memref<!tpu.dma_semaphore, #tpu.memory_space<semaphore_mem>>
        tpu.enqueue_dma source(%arg21 : memref<1280xi32, #tpu.memory_space<vmem_shared>>) target(%arg11 : memref<1280xi32, #tpu.memory_space<vmem>>) target_semaphore(%run_scoped3A : memref<!tpu.dma_semaphore, #tpu.memory_space<semaphore_mem>>)
        tpu.wait_dma2 semaphore(%run_scoped3A : memref<!tpu.dma_semaphore, #tpu.memory_space<semaphore_mem>>) src(%arg21 : memref<1280xi32, #tpu.memory_space<vmem_shared>>) dst(%arg11 : memref<1280xi32, #tpu.memory_space<vmem>>)
        tpu.yield
      }) : () -> ()
      %scan3A = arith.constant 0 : i32
      %scan3A_535 = arith.constant 1250 : i32
      %scan3A_536 = arith.constant 0 : i32
      %scan3A_537 = arith.constant 12 : i32
      %scan3A_538 = arith.addi %scan3A_536, %scan3A_537 : i32
      %scan3A_539 = arith.constant 1 : i32
      %scan3A_540:2 = scf.for %scan3A_590 = %scan3A_536 to %scan3A_538 step %scan3A_539 iter_args(%scan3A_591 = %scan3A, %scan3A_592 = %scan3A_535) -> (i32, i32)  : i32 {
        %add3A_593 = arith.addi %scan3A_591, %scan3A_592 : i32
        %div3A_594 = arith.constant 2 : i32
        %div3A_595 = arith.divsi %add3A_593, %div3A_594 : i32
        %min3A_596 = arith.constant 1249 : i32
        %min3A_597 = arith.minsi %div3A_595, %min3A_596 : i32
        %broadcast_in_dim3A_598 = vector.broadcast %min3A_597 : i32 to vector<16xi32>
        %gather3A_599 = tpu.vector_load_idx %arg11[%broadcast_in_dim3A_598] : memref<1280xi32, #tpu.memory_space<vmem>>[vector<16xi32>], vector<16xi32>,
        %slice3A_600 = vector.extract_strided_slice %gather3A_599 {offsets = [0], sizes = [1], strides = [1]} : vector<16xi32> to vector<1xi32>
        %squeeze3A_601 = vector.extract %slice3A_600[0] : i32 from vector<1xi32>
        %lt3A = arith.cmpi slt, %squeeze3A_601, %min3A_5 : i32
        %add3A_602 = arith.constant 1 : i32
        %add3A_603 = arith.addi %div3A_595, %add3A_602 : i32
        %select_n3A = arith.select %lt3A, %add3A_603, %scan3A_591 : i32
        %select_n3A_604 = arith.select %lt3A, %scan3A_592, %div3A_595 : i32
        scf.yield %select_n3A, %select_n3A_604 : i32, i32
      }
      %scan3A_541 = arith.constant 12 : i32
      %min3A_542 = arith.constant 1250 : i32
      %min3A_543 = arith.minsi %scan3A_540#0, %min3A_542 : i32
      %sub3A_544 = arith.constant 1 : i32
      %sub3A_545 = arith.subi %min3A_543, %sub3A_544 : i32
      %max3A_546 = arith.constant 0 : i32
      %max3A_547 = arith.maxsi %sub3A_545, %max3A_546 : i32
      %add3A_548 = arith.constant 3232 : i32
      %add3A_549 = arith.addi %min3A_5, %add3A_548 : i32
      %scan3A_550 = arith.constant 0 : i32
      %scan3A_551 = arith.constant 1250 : i32
      %scan3A_552 = arith.constant 0 : i32
      %scan3A_553 = arith.constant 12 : i32
      %scan3A_554 = arith.addi %scan3A_552, %scan3A_553 : i32
      %scan3A_555 = arith.constant 1 : i32
      %scan3A_556:2 = scf.for %scan3A_590 = %scan3A_552 to %scan3A_554 step %scan3A_555 iter_args(%scan3A_591 = %scan3A_550, %scan3A_592 = %scan3A_551) -> (i32, i32)  : i32 {
        %add3A_593 = arith.addi %scan3A_591, %scan3A_592 : i32
        %div3A_594 = arith.constant 2 : i32
        %div3A_595 = arith.divsi %add3A_593, %div3A_594 : i32
        %min3A_596 = arith.constant 1249 : i32
        %min3A_597 = arith.minsi %div3A_595, %min3A_596 : i32
        %broadcast_in_dim3A_598 = vector.broadcast %min3A_597 : i32 to vector<16xi32>
        %gather3A_599 = tpu.vector_load_idx %arg11[%broadcast_in_dim3A_598] : memref<1280xi32, #tpu.memory_space<vmem>>[vector<16xi32>], vector<16xi32>,
        %slice3A_600 = vector.extract_strided_slice %gather3A_599 {offsets = [0], sizes = [1], strides = [1]} : vector<16xi32> to vector<1xi32>
        %squeeze3A_601 = vector.extract %slice3A_600[0] : i32 from vector<1xi32>
        %lt3A = arith.cmpi slt, %squeeze3A_601, %add3A_549 : i32
        %add3A_602 = arith.constant 1 : i32
        %add3A_603 = arith.addi %div3A_595, %add3A_602 : i32
        %select_n3A = arith.select %lt3A, %add3A_603, %scan3A_591 : i32
        %select_n3A_604 = arith.select %lt3A, %scan3A_592, %div3A_595 : i32
        scf.yield %select_n3A, %select_n3A_604 : i32, i32
      }
      %scan3A_557 = arith.constant 12 : i32
      %min3A_558 = arith.constant 1250 : i32
      %min3A_559 = arith.minsi %scan3A_556#0, %min3A_558 : i32
      %min3A_560 = arith.constant 1046 : i32
      %min3A_561 = arith.minsi %max3A_547, %min3A_560 : i32
      %mul3A_562 = arith.constant 16 : i32
      %mul3A_563 = arith.muli %min3A_561, %mul3A_562 : i32
      %dma_start3A_564 = tpu.memref_slice %arg2[%mul3A_563] : memref<20000xi32, #tpu.memory_space<hbm>> -> memref<3264xi32, #tpu.memory_space<hbm>>
      %dma_start3A_565 = tpu.memref_slice %arg2[%mul3A_563] : memref<20000xi32, #tpu.memory_space<hbm>> -> memref<3264xi32, #tpu.memory_space<hbm>>
      tpu.enqueue_dma source(%dma_start3A_565 : memref<3264xi32, #tpu.memory_space<hbm>>) target(%arg12 : memref<3264xi32, #tpu.memory_space<vmem>>) target_semaphore(%arg27 : memref<!tpu.dma_semaphore, #tpu.memory_space<semaphore_mem>>)
      %mul3A_566 = arith.constant 16 : i32
      %mul3A_567 = arith.muli %min3A_561, %mul3A_566 : i32
      %dma_start3A_568 = tpu.memref_slice %arg3[%mul3A_567] : memref<20000xf32, #tpu.memory_space<hbm>> -> memref<3264xf32, #tpu.memory_space<hbm>>
      %dma_start3A_569 = tpu.memref_slice %arg3[%mul3A_567] : memref<20000xf32, #tpu.memory_space<hbm>> -> memref<3264xf32, #tpu.memory_space<hbm>>
      tpu.enqueue_dma source(%dma_start3A_569 : memref<3264xf32, #tpu.memory_space<hbm>>) target(%arg13 : memref<3264xf32, #tpu.memory_space<vmem>>) target_semaphore(%arg23 : memref<!tpu.dma_semaphore, #tpu.memory_space<semaphore_mem>>)
      %dma_wait3A_570 = tpu.memref_slice %arg2[%mul3A_563] : memref<20000xi32, #tpu.memory_space<hbm>> -> memref<3264xi32, #tpu.memory_space<hbm>>
      %dma_wait3A_571 = tpu.memref_slice %arg2[%mul3A_563] : memref<20000xi32, #tpu.memory_space<hbm>> -> memref<3264xi32, #tpu.memory_space<hbm>>
      tpu.wait_dma2 semaphore(%arg27 : memref<!tpu.dma_semaphore, #tpu.memory_space<semaphore_mem>>) src(%dma_wait3A_571 : memref<3264xi32, #tpu.memory_space<hbm>>) dst(%arg12 : memref<3264xi32, #tpu.memory_space<vmem>>)
      %dma_wait3A_572 = tpu.memref_slice %arg3[%mul3A_567] : memref<20000xf32, #tpu.memory_space<hbm>> -> memref<3264xf32, #tpu.memory_space<hbm>>
      %dma_wait3A_573 = tpu.memref_slice %arg3[%mul3A_567] : memref<20000xf32, #tpu.memory_space<hbm>> -> memref<3264xf32, #tpu.memory_space<hbm>>
      tpu.wait_dma2 semaphore(%arg23 : memref<!tpu.dma_semaphore, #tpu.memory_space<semaphore_mem>>) src(%dma_wait3A_573 : memref<3264xf32, #tpu.memory_space<hbm>>) dst(%arg13 : memref<3264xf32, #tpu.memory_space<vmem>>)
      %while3A = arith.constant 0 : i32
      %while3A_574 = arith.subi %min3A_559, %max3A_547 : i32
      %while3A_575 = arith.addi %max3A_547, %while3A_574 : i32
      %while3A_576 = arith.constant 1 : i32
      %while3A_577 = arith.divsi %while3A_574, %while3A_576 : i32
      %while3A_578 = arith.muli %while3A_577, %while3A_576 : i32
      %while3A_579 = arith.addi %max3A_547, %while3A_578 : i32
      %while3A_580 = arith.constant 1 : i32
      scf.for %while3A_590 = %max3A_547 to %while3A_579 step %while3A_580  : i32 {
        %sub3A_591 = arith.subi %while3A_590, %min3A_561 : i32
        %mul3A_592 = arith.constant 16 : i32
        %mul3A_593 = arith.muli %sub3A_591, %mul3A_592 : i32
        %get3A_594 = arith.index_cast %mul3A_593 : i32 to index
        %get3A_595 = tpu.vector_load %arg12[%get3A_594] {strides = array<i32>} : memref<3264xi32, #tpu.memory_space<vmem>>, vector<16xi32>,
        %sub3A_596 = arith.subi %while3A_590, %min3A_561 : i32
        %mul3A_597 = arith.constant 16 : i32
        %mul3A_598 = arith.muli %sub3A_596, %mul3A_597 : i32
        %get3A_599 = arith.index_cast %mul3A_598 : i32 to index
        %get3A_600 = tpu.vector_load %arg13[%get3A_599] {strides = array<i32>} : memref<3264xf32, #tpu.memory_space<vmem>>, vector<16xf32>,
        %sub3A_601 = arith.subf %get3A_600, %broadcast_in_dim3A_523 : vector<16xf32>
        %mul3A_602 = arith.constant 2.000000e+00 : f32
        %mul3A_603 = vector.broadcast %mul3A_602 : f32 to vector<16xf32>
        %mul3A_604 = arith.mulf %sub3A_601, %mul3A_603 : vector<16xf32>
        %exp3A = math.exp %mul3A_604 : vector<16xf32>
        %add3A_605 = arith.constant 1.000000e+00 : f32
        %add3A_606 = vector.broadcast %add3A_605 : f32 to vector<16xf32>
        %add3A_607 = arith.addf %add3A_606, %exp3A : vector<16xf32>
        %div3A_608 = arith.constant 1.000000e+00 : f32
        %div3A_609 = vector.broadcast %div3A_608 : f32 to vector<16xf32>
        %div3A_610 = arith.divf %div3A_609, %add3A_607 : vector<16xf32>
        %ge3A = vector.broadcast %min3A_5 : i32 to vector<16xi32>
        %ge3A_611 = arith.cmpi sge, %get3A_595, %ge3A : vector<16xi32>
        %add3A_612 = arith.constant 3232 : i32
        %add3A_613 = arith.addi %min3A_5, %add3A_612 : i32
        %lt3A = vector.broadcast %add3A_613 : i32 to vector<16xi32>
        %lt3A_614 = arith.cmpi slt, %get3A_595, %lt3A : vector<16xi32>
        %and3A = arith.andi %ge3A_611, %lt3A_614 : vector<16xi1>
        %sub3A_615 = vector.broadcast %min3A_5 : i32 to vector<16xi32>
        %sub3A_616 = arith.subi %get3A_595, %sub3A_615 : vector<16xi32>
        %jit3A = arith.constant 0 : i32
        %jit3A_617 = arith.constant 3231 : i32
        %max3A_618 = vector.broadcast %jit3A : i32 to vector<16xi32>
        %max3A_619 = arith.maxsi %max3A_618, %sub3A_616 : vector<16xi32>
        %min3A_620 = vector.broadcast %jit3A_617 : i32 to vector<16xi32>
        %min3A_621 = arith.minsi %min3A_620, %max3A_619 : vector<16xi32>
        tpu.vector_store_idx %arg17[%min3A_621], %div3A_610 masked %and3A : memref<3232xf32, #tpu.memory_space<vmem>>[vector<16xi32>], vector<16xf32>, vector<16xi1>
      }
      %while3A_581 = arith.constant 1 : i32
      scf.for %while3A_590 = %while3A_579 to %while3A_575 step %while3A_581  : i32 {
        %sub3A_591 = arith.subi %while3A_590, %min3A_561 : i32
        %mul3A_592 = arith.constant 16 : i32
        %mul3A_593 = arith.muli %sub3A_591, %mul3A_592 : i32
        %get3A_594 = arith.index_cast %mul3A_593 : i32 to index
        %get3A_595 = tpu.vector_load %arg12[%get3A_594] {strides = array<i32>} : memref<3264xi32, #tpu.memory_space<vmem>>, vector<16xi32>,
        %sub3A_596 = arith.subi %while3A_590, %min3A_561 : i32
        %mul3A_597 = arith.constant 16 : i32
        %mul3A_598 = arith.muli %sub3A_596, %mul3A_597 : i32
        %get3A_599 = arith.index_cast %mul3A_598 : i32 to index
        %get3A_600 = tpu.vector_load %arg13[%get3A_599] {strides = array<i32>} : memref<3264xf32, #tpu.memory_space<vmem>>, vector<16xf32>,
        %sub3A_601 = arith.subf %get3A_600, %broadcast_in_dim3A_523 : vector<16xf32>
        %mul3A_602 = arith.constant 2.000000e+00 : f32
        %mul3A_603 = vector.broadcast %mul3A_602 : f32 to vector<16xf32>
        %mul3A_604 = arith.mulf %sub3A_601, %mul3A_603 : vector<16xf32>
        %exp3A = math.exp %mul3A_604 : vector<16xf32>
        %add3A_605 = arith.constant 1.000000e+00 : f32
        %add3A_606 = vector.broadcast %add3A_605 : f32 to vector<16xf32>
        %add3A_607 = arith.addf %add3A_606, %exp3A : vector<16xf32>
        %div3A_608 = arith.constant 1.000000e+00 : f32
        %div3A_609 = vector.broadcast %div3A_608 : f32 to vector<16xf32>
        %div3A_610 = arith.divf %div3A_609, %add3A_607 : vector<16xf32>
        %ge3A = vector.broadcast %min3A_5 : i32 to vector<16xi32>
        %ge3A_611 = arith.cmpi sge, %get3A_595, %ge3A : vector<16xi32>
        %add3A_612 = arith.constant 3232 : i32
        %add3A_613 = arith.addi %min3A_5, %add3A_612 : i32
        %lt3A = vector.broadcast %add3A_613 : i32 to vector<16xi32>
        %lt3A_614 = arith.cmpi slt, %get3A_595, %lt3A : vector<16xi32>
        %and3A = arith.andi %ge3A_611, %lt3A_614 : vector<16xi1>
        %sub3A_615 = vector.broadcast %min3A_5 : i32 to vector<16xi32>
        %sub3A_616 = arith.subi %get3A_595, %sub3A_615 : vector<16xi32>
        %jit3A = arith.constant 0 : i32
        %jit3A_617 = arith.constant 3231 : i32
        %max3A_618 = vector.broadcast %jit3A : i32 to vector<16xi32>
        %max3A_619 = arith.maxsi %max3A_618, %sub3A_616 : vector<16xi32>
        %min3A_620 = vector.broadcast %jit3A_617 : i32 to vector<16xi32>
        %min3A_621 = arith.minsi %min3A_620, %max3A_619 : vector<16xi32>
        tpu.vector_store_idx %arg17[%min3A_621], %div3A_610 masked %and3A : memref<3232xf32, #tpu.memory_space<vmem>>[vector<16xi32>], vector<16xf32>, vector<16xi1>
      }
      %dma_start3A_582 = tpu.memref_slice %arg6[%min3A_5] : memref<100000xf32, #tpu.memory_space<hbm>> -> memref<3232xf32, #tpu.memory_space<hbm>>
      %dma_start3A_583 = tpu.memref_slice %arg6[%min3A_5] : memref<100000xf32, #tpu.memory_space<hbm>> -> memref<3232xf32, #tpu.memory_space<hbm>>
      tpu.enqueue_dma source(%arg17 : memref<3232xf32, #tpu.memory_space<vmem>>) target(%dma_start3A_583 : memref<3232xf32, #tpu.memory_space<hbm>>) target_semaphore(%arg28 : memref<!tpu.dma_semaphore, #tpu.memory_space<semaphore_mem>>)
      %dma_start3A_584 = tpu.memref_slice %arg7[%min3A_5] : memref<100000xf32, #tpu.memory_space<hbm>> -> memref<3232xf32, #tpu.memory_space<hbm>>
      %dma_start3A_585 = tpu.memref_slice %arg7[%min3A_5] : memref<100000xf32, #tpu.memory_space<hbm>> -> memref<3232xf32, #tpu.memory_space<hbm>>
      tpu.enqueue_dma source(%arg17 : memref<3232xf32, #tpu.memory_space<vmem>>) target(%dma_start3A_585 : memref<3232xf32, #tpu.memory_space<hbm>>) target_semaphore(%arg29 : memref<!tpu.dma_semaphore, #tpu.memory_space<semaphore_mem>>)
      %dma_wait3A_586 = tpu.memref_slice %arg6[%min3A_5] : memref<100000xf32, #tpu.memory_space<hbm>> -> memref<3232xf32, #tpu.memory_space<hbm>>
      %dma_wait3A_587 = tpu.memref_slice %arg6[%min3A_5] : memref<100000xf32, #tpu.memory_space<hbm>> -> memref<3232xf32, #tpu.memory_space<hbm>>
      tpu.wait_dma2 semaphore(%arg28 : memref<!tpu.dma_semaphore, #tpu.memory_space<semaphore_mem>>) src(%arg17 : memref<3232xf32, #tpu.memory_space<vmem>>) dst(%dma_wait3A_587 : memref<3232xf32, #tpu.memory_space<hbm>>)
      %dma_wait3A_588 = tpu.memref_slice %arg7[%min3A_5] : memref<100000xf32, #tpu.memory_space<hbm>> -> memref<3232xf32, #tpu.memory_space<hbm>>
      %dma_wait3A_589 = tpu.memref_slice %arg7[%min3A_5] : memref<100000xf32, #tpu.memory_space<hbm>> -> memref<3232xf32, #tpu.memory_space<hbm>>
      tpu.wait_dma2 semaphore(%arg29 : memref<!tpu.dma_semaphore, #tpu.memory_space<semaphore_mem>>) src(%arg17 : memref<3232xf32, #tpu.memory_space<vmem>>) dst(%dma_wait3A_589 : memref<3232xf32, #tpu.memory_space<hbm>>)
    } else {
    }
    return
  }
}

</mosaic_0001>

<sc_bundles>
// kernel: kernel.3.cloned.1.call-start
scs
__scs_entry_jumppad:
0x0: {  	(pc) =	sbr.rel $0x88, $3  }
0x1: {  	(tag) =	ssettag $0x0;
	lr =	simm.s32 $0x1  }
0x2: {  	[smem:$0x3F9D] =	sst lr;
	_ =	strace $0xD0000000  }
0x3: {  	_ = 	snop  }
0x4: {  	_ = 	snop  }
0x5: {  	_ = 	snop  }
0x6: {  	_ = 	snop  }
0x7: {  	_ = 	snop  }
__scs_overlays_trampoline_lowered:
0x8: {  	[smem:$0x3FAC] =	sst s0  }
0x9: {  	[smem:$0x3FAD] =	sst s1  }
0xa: {  	[smem:$0x3FAE] =	sst s2  }
0xb: {  	[smem:$0x3FAF] =	sst s3  }
0xc: {  	[smem:$0x3FB0] =	sst s4  }
0xd: {  	[smem:$0x3FB1] =	sst s5  }
0xe: {  	[smem:$0x3FB2] =	sst s6  }
0xf: {  	[smem:$0x3FB3] =	sst s7  }
0x10: {  	[smem:$0x3FB4] =	sst s8  }
0x11: {  	[smem:$0x3FB5] =	sst s9;
	s0 =	simm.s32 @!p0 $0x0  }
0x12: {  	s1 =	sld [smem:$0x3F9B];
	s0 =	simm.s32 @p0 $0x1  }
0x13: {  	[smem:$0x3FB6] =	sst s0;
	s0 =	simm.s32 @!p1 $0x0  }
0x14: {  	s2 =	sld [smem:$0x3F9A];
	s0 =	simm.s32 @p1 $0x1  }
0x15: {  	[smem:$0x3FB7] =	sst s0;
	s0 =	simm.s32 @!p2 $0x0  }
0x16: {  	s3 =	sld [smem:$0x3FDB];
	s0 =	simm.s32 @p2 $0x1  }
0x17: {  	s4 =	simm.s32 $0x1BF5;
	[smem:$0x3FB9] =	sst s0  }
0x18: {  	s0 =	sld [smem:$0x3F9C];
	_ =	swait.ge [sflag:s4], $0x0  }
0x19: {  	s7 =	sld [smem:$0x3F9D]  }
0x1a: {  	s8 =	sadd.s32 $0xFFFFE003, lr  }
0x1b: {  	s9 =	sadd.s32 $0xFFFFFEF7, lr;
	s5 =	simm.s32 $0xFFFFFFFF;
	p2 =	slt.u32 s8, $0xFFFFF086  }
0x1c: {  	p1 =	slt.u32 s9, $0xF7A;
	s5 =	simm.s32 @!p2 $0x0  }
0x1d: {  	s5 =	simm.s32 @p1 $0x1;
	p0 =	seq.s32 s7, s2  }
0x1e: {  	s7 =	smul.u32 @!p0 $0xF7A, s2;
	p2 =	seq.s32 @!p0 s5, $0x0  }
0x1f: {  	s9 =	smul.u32 $0xF7A, s1;
	s8 =	simm.s32 @!p0 $0x1BF5;
	p2 =	por !p2, p0  }
0x20: {  	[sflag:s8] =	ssyncset.s32 @!p0 $0xFFFFF086;
	s6 =	sadd.s32 @!p0 s3, s7;
	s7 =	simm.s32 @!p0 $0x108  }
0x21: {  	s3 =	sadd.s32 s3, s9;
	s6 =	sadd.s32 @!p0 $0x88, s6;
	s7 =	simm.s32 @p2 $0x1082  }
0x22: {  	[simem:s7], [sflag:s8] =	dma.local @!p0 [hbm:s6], $0xF7A  }
0x23: {  	s9 =	sor.u32 $0xD0000000, s2;
	s6 =	simm.s32 $0x108;
	_ =	swait.ge @!p0 [sflag:s8], $0x0  }
0x24: {  	s3 =	sadd.s32 $0x88, s3;
	s6 =	simm.s32 @!p1 $0x1082;
	[sflag:s4] =	ssyncset.s32 $0xFFFFF086  }
0x25: {  	[simem:s6], [sflag:s4] =	dma.local [hbm:s3], $0xF7A  }
0x26: {  	[smem:$0x3F9D] =	sst s1;
	(tag) =	ssettag s2;
	_ =	strace s9  }
0x27: {  	s1 =	sld [smem:$0x3FAD]  }
0x28: {  	s2 =	sld [smem:$0x3FAE]  }
0x29: {  	s4 =	sld [smem:$0x3FB0]  }
0x2a: {  	p0 =	seq.s32 s5, $0x0;
	s5 =	sld [smem:$0x3FB1]  }
0x2b: {  	s6 =	sld [smem:$0x3FB2]  }
0x2c: {  	s7 =	sld [smem:$0x3FB3]  }
0x2d: {  	s3 =	simm.s32 $0x108;
	s8 =	sld [smem:$0x3FB4]  }
0x2e: {  	s3 =	simm.s32 @!p0 $0x1082;
	s9 =	sld [smem:$0x3FB5]  }
0x2f: {  	lr =	sadd.s32 s0, s3;
	s0 =	sld [smem:$0x3FAC]  }
0x30: {  	s3 =	sld [smem:$0x3FAF]  }
0x31: {  	[smem:$0x3FB8] =	sst s10  }
0x32: {  	s10 =	sld [smem:$0x3FB6];
	_ =	sdelay $0x3  }
0x33: {  	p0 =	seq.s32 s10, $0x1;
	s10 =	sld [smem:$0x3FB8];
	_ =	sdelay $0x3  }
0x34: {  	[smem:$0x3FB8] =	sst s10  }
0x35: {  	s10 =	sld [smem:$0x3FB7];
	_ =	sdelay $0x3  }
0x36: {  	p1 =	seq.s32 s10, $0x1;
	s10 =	sld [smem:$0x3FB8];
	_ =	sdelay $0x3  }
0x37: {  	[smem:$0x3FB8] =	sst s10  }
0x38: {  	s10 =	sld [smem:$0x3FB9]  }
0x39: {  	_ = 	snop;
	(pc) =	sbr.ind lr, $3  }
0x3a: {  	_ = 	snop  }
0x3b: {  	_ = 	snop  }
0x3c: {  	p2 =	seq.s32 s10, $0x1;
	s10 =	sld [smem:$0x3FB8]  }
0x3d: {  	_ =	shalt  }
0x3e: {  	_ =	shalt  }
0x3f: {  	_ =	shalt  }
0x40: {  	_ =	shalt  }
0x41: {  	_ =	shalt  }
0x42: {  	_ =	shalt  }
0x43: {  	_ =	shalt  }
0x44: {  	_ =	shalt  }
0x45: {  	_ =	shalt  }
0x46: {  	_ =	shalt  }
0x47: {  	_ =	shalt  }
0x48: {  	_ =	shalt  }
0x49: {  	_ =	shalt  }
0x4a: {  	_ =	shalt  }
0x4b: {  	_ =	shalt  }
0x4c: {  	_ =	shalt  }
0x4d: {  	_ =	shalt  }
0x4e: {  	_ =	shalt  }
0x4f: {  	_ =	shalt  }
0x50: {  	_ =	shalt  }
0x51: {  	_ =	shalt  }
0x52: {  	_ =	shalt  }
0x53: {  	_ =	shalt  }
0x54: {  	_ =	shalt  }
0x55: {  	_ =	shalt  }
0x56: {  	_ =	shalt  }
0x57: {  	_ =	shalt  }
0x58: {  	_ =	shalt  }
0x59: {  	_ =	shalt  }
0x5a: {  	_ =	shalt  }
0x5b: {  	_ =	shalt  }
0x5c: {  	_ =	shalt  }
0x5d: {  	_ =	shalt  }
0x5e: {  	_ =	shalt  }
0x5f: {  	_ =	shalt  }
0x60: {  	_ =	shalt  }
0x61: {  	_ =	shalt  }
0x62: {  	_ =	shalt  }
0x63: {  	_ =	shalt  }
0x64: {  	_ =	shalt  }
0x65: {  	_ =	shalt  }
0x66: {  	_ =	shalt  }
0x67: {  	_ =	shalt  }
0x68: {  	_ =	shalt  }
0x69: {  	_ =	shalt  }
0x6a: {  	_ =	shalt  }
0x6b: {  	_ =	shalt  }
0x6c: {  	_ =	shalt  }
0x6d: {  	_ =	shalt  }
0x6e: {  	_ =	shalt  }
0x6f: {  	_ =	shalt  }
0x70: {  	_ =	shalt  }
0x71: {  	_ =	shalt  }
0x72: {  	_ =	shalt  }
0x73: {  	_ =	shalt  }
0x74: {  	_ =	shalt  }
0x75: {  	_ =	shalt  }
0x76: {  	_ =	shalt  }
0x77: {  	_ =	shalt  }
0x78: {  	_ =	shalt  }
0x79: {  	_ =	shalt  }
0x7a: {  	_ =	shalt  }
0x7b: {  	_ =	shalt  }
0x7c: {  	_ =	shalt  }
0x7d: {  	_ =	shalt  }
0x7e: {  	_ =	shalt  }
0x7f: {  	_ =	shalt  }
0x80: {  	_ =	shalt  }
0x81: {  	_ =	shalt  }
0x82: {  	_ =	shalt  }
0x83: {  	_ =	shalt  }
0x84: {  	_ =	shalt  }
0x85: {  	_ =	shalt  }
0x86: {  	_ =	shalt  }
0x87: {  	_ =	shalt  }
.Lfunc_end0:
.L_simem_size_0:
called_computation_lowered:
.L_overlay_start_0:
0x88: {  	s2 =	sld [smem:$0x3FD9]  }
0x89: {  	s3 =	sld [smem:$0x3FFE];
	_ =	sdelay $0x1  }
0x8a: {  	s1 =	srdreg.scid  }
0x8b: {  	s0 =	sand.u32 $0x1, s1  }
0x8c: {  	s15 =	sshll.u32 s0, $0xA;
	s2 =	sadd.s32 s3, s2  }
0x8d: {  	s2 =	sadd.s32 s2, s15  }
0x8e: {  	[smem:$0x3FC4] =	sst s2  }
0x8f: {  	_ = 	snop  }
0x90: {  	s2 =	sld [smem:$0x3FC9]  }
0x91: {  	s16 =	sld [smem:$0x3FD0]  }
0x92: {  	s4 =	sld [smem:$0x3FC8]  }
0x93: {  	s5 =	sld [smem:$0x3FC7]  }
0x94: {  	s7 =	simm.s32 $0xA;
	s8 =	simm.s32 $0x10;
	s6 =	sld [smem:$0x3FC6]  }
0x95: {  	[smem:s8], [sflag:s7] =	dma.local [hbm:s16], $0x1  }
0x96: {  	_ =	swait.eq [sflag:s7], $0x1  }
0x97: {  	s17 =	sld [smem:$0x10];
	[sflag:s7] =	ssyncset.done $0x0  }
0x98: {  	s18 =	sld [smem:$0x11];
	[sflag:s7] =	ssyncadd.s32 $0xFFFFFFFF  }
0x99: {  	s19 =	sld [smem:$0x13];
	(tm) =	ssettm $0x1  }
0x9a: {  	s9 =	sld [smem:$0x3FFB];
	_ =	sdelay $0x3  }
0x9b: {  	_ =	strace s9  }
0x9c: {  	s9 =	sld [smem:$0x3FFC];
	_ =	sdelay $0x3  }
0x9d: {  	_ =	strace s9  }
0x9e: {  	s9 =	sld [smem:$0x3FFD];
	_ =	sdelay $0x3  }
0x9f: {  	_ =	strace s9  }
0xa0: {  	_ =	strace $0x8FFFFFFF  }
0xa1: {  	s20 =	sld [smem:$0x3FDB];
	_ =	sdelay $0x1  }
0xa2: {  	s10 =	simm.s32 $_scs_section_size  }
0xa3: {  	s11 =	simm.s32 $_size__tile_overlayer_lowered;
	s12 =	simm.s32 $_tile_overlayer_lowered  }
0xa4: {  	s23 =	simm.s32 $0x1BFF;
	s22 =	sshll.u32 s12, $0x1;
	s9 =	sadd.s32 s10, s20  }
0xa5: {  	s13 =	simm.s32 $0x0;
	s21 =	sshll.u32 s11, $0x1;
	s11 =	sadd.s32 s22, s9  }
0xa6: {  	[timem:s13], [sflag:s23] =	dma.local [hbm:s11], s21  }
0xa7: {  	_ =	swait.ge [sflag:s23], s21  }
0xa8: {  	s10 =	ssub.s32 $0x0, s21;
	[sflag:s23] =	ssyncset.done $0x0  }
0xa9: {  	[sflag:s23] =	ssyncadd.s32 s10;
	_ =	sdelay $0x1  }
0xaa: {  	s24 =	simm.s32 $0x1B8B  }
0xab: {  	_ =	swait.ge [sflag:s24], $0x1  }
0xac: {  	[sflag:s24] =	ssyncset.done $0x0  }
0xad: {  	s25 =	simm.s32 $0x1B8E;
	[sflag:s24] =	ssyncadd.s32 $0xFFFFFFFF  }
0xae: {  	s26 =	simm.s32 $execute0_lowered;
	[smem:$0x3FD2] =	sst s25  }
0xaf: {  	s10 =	sshll.u32 s26, $0x1;
	_ =	strace $0x80000046;
	[dreg:$0x1] =	wrdreg $0xFFFFFFFF  }
0xb0: {  	s28 =	simm.s32 $_size_execute0_lowered;
	s9 =	sadd.s32 s9, s10;
	[dreg:$0x0] =	wrdreg $0x0  }
0xb1: {  	s10 =	sshll.u32 s28, $0x1;
	[dreg:$0x2] =	wrdreg s9  }
0xb2: {  	[dreg:$0x3] =	wrdreg s10  }
0xb3: {  	[dreg:$0x4] =	wrdreg $0xC0  }
0xb4: {  	_ =	task [dreg:s13], $0x5FFFF  }
0xb5: {  	[dreg:$0x1] =	wrdreg $0xFFFFFFFF  }
0xb6: {  	[dreg:$0x0] =	wrdreg $0x60  }
0xb7: {  	[dreg:$0x2] =	wrdreg s2  }
0xb8: {  	[dreg:$0x3] =	wrdreg s4  }
0xb9: {  	[dreg:$0x4] =	wrdreg s5  }
0xba: {  	[dreg:$0x5] =	wrdreg s6  }
0xbb: {  	[dreg:$0x6] =	wrdreg s17  }
0xbc: {  	[dreg:$0x7] =	wrdreg s18  }
0xbd: {  	[dreg:$0x8] =	wrdreg s19  }
0xbe: {  	[dreg:$0x9] =	wrdreg $0x40800  }
0xbf: {  	[dreg:$0xa] =	wrdreg $0x40D00  }
0xc0: {  	[dreg:$0xb] =	wrdreg $0x9  }
0xc1: {  	_ =	task.clear_ibuf [dreg:s13], $0xCFFFF;
	_ =	strace $0x90000046  }
0xc2: {  	s29 =	simm.s32 $0x9;
	_ =	strace $0x80000048  }
0xc3: {  	_ =	swait.ge [sflag:s29], $0x1  }
0xc4: {  	[sflag:s29] =	ssyncadd.s32 $0xFFFFFFFF  }
0xc5: {  	_ =	strace $0x90000048  }
0xc6: {  	_ =	sfence  }
0xc7: {  	s30 =	sld [smem:$0x0];
	_ =	sdelay $0x2  }
0xc8: {  	s31 =	sshll.u32 s1, $0xD;
	s1 =	sshrl.u32 s1, $0x2  }
0xc9: {  	s3 =	sand.u32 $0x4000, s31;
	s1 =	sadd.s32 s1, s30  }
0xca: {  	s0 =	sor.u32 s3, s0;
	s1 =	sshll.u32 s1, $0x11  }
0xcb: {  	s0 =	sor.u32 s1, s0  }
0xcc: {  	s0 =	sadd.s32 $0x8F2B, s0  }
0xcd: {  	[sflag:s0] =	ssyncadd.remote.s32 $0x1  }
0xce: {  	_ =	sfence.sel $0xFFFF  }
0xcf: {  	[dreg:$0x0] =	wrdreg $0xFFFFFFFF;
	(pc) =	sbr.abs _section_cstart, $3  }
0xd0: {  	[dreg:$0x1] =	wrdreg $0xFFFFFFFF  }
0xd1: {  	_ =	task.clear_ibuf [dreg:s13], $0x2FFFF;
	_ =	strace $0x9FFFFFFF  }
0xd2: {  	(tm) =	ssettm $0x7FFFFFFF  }
0xd3: {  	_ =	shalt  }
tec
execute0_lowered:
.L_overlay_start_1:
0x0: {  	(tag) =	ssettag $0x1  }
0x1: {  	s12 =	rddreg [dreg:$0x0]  }
0x2: {  	s15 =	rddreg [dreg:$0x1]  }
0x3: {  	s0 =	rddreg [dreg:$0x2]  }
0x4: {  	s1 =	rddreg [dreg:$0x4]  }
0x5: {  	s2 =	rddreg [dreg:$0x5]  }
0x6: {  	s3 =	srdreg.scid;
	s18 =	rddreg [dreg:$0x7]  }
0x7: {  	s17 =	stileid.u32;
	s19 =	rddreg [dreg:$0x8]  }
0x8: {  	s8 =	simm.s32 $0x0;
	s28 =	simm.s32 $0x2;
	s10 =	smul.u32 $0x500, s17  }
0x9: {  	s29 =	simm.s32 $0x3;
	s30 =	simm.s32 $0x6;
	s23 =	smul.u32 $0x4F, s17  }
0xa: {  	s3 =	sand.u32 $0x1, s3;
	s4 =	sshll.u32 s17, $0x1;
	s16 =	smul.u32 $0x50, s17  }
0xb: {  	[smem:$0x7FF] =	sst s8;
	s17 =	smul.u32 $0xC0, s17;
	s4 =	sor.u32 s3, s4  }
0xc: {  	s6 =	ssub.s32 $0x2, s3;
	_ =	strace $0x80000047;
	p0 =	sne.s32 s3, $0x0  }
0xd: {  	s3 =	simm.s32 $0x600;
	s5 =	smax.u32 s4, $0x1;
	s7 =	sshrl.u32 s6, $0x1  }
0xe: {  	s24 =	smin.u32 s10, $0x4910;
	p1 =	sne.s32 s4, $0x0;
	s5 =	smul.u32 $0xCA0, s5  }
0xf: {  	s6 =	ssub.s32 s6, s7;
	s7 =	smin.u32 s23, $0x493;
	s11 =	sshrl.u32 s24, $0x4  }
0x10: {  	s23 =	simm.s32 $0x1;
	s13 =	ssub.s32 s16, s11;
	s14 =	sshll.u32 s7, $0x1  }
0x11: {  	v0 =	vlaneseq.u32;
	s16 =	sadd.s32 s16, s18;
	s18 =	smax.u32 s6, $0x1;
	s9 =	smin.u32 s5, $0x186A0  }
0x12: {  	v1 =	vmul.u32 $0x10, v0;
	s5 =	sshrl.u32 s24, $0x3;
	s25 =	sshll.u32 s13, $0x4;
	s13 =	sadd.s32 s0, s14  }
0x13: {  	s24 =	simm.s32 $0x580;
	s0 =	simm.s32 $0x7;
	s10 =	sadd.s32 $0xFFFFF360, s9  }
0x14: {  	v8 =	vimm.f32 $1.000000000e+00;
	s26 =	sadd.s32 $0x100, s25;
	s20 =	sadd.s32 $0x200, s25;
	s21 =	sadd.s32 $0x300, s25;
	v2 =	vadd.s32 s25, v1;
	v7 =	vmov s9  }
.Ltmp0:
0x15: {  	s11 =	sadd.s32 s12, s5;
	s22 =	sadd.s32 $0x400, s25;
	v3 =	vadd.s32 s26, v1;
	v4 =	vadd.s32 s20, v1;
	v5 =	vadd.s32 s21, v1;
	(pc) =	sbr.rel .LBB2_1-.Ltmp0, $4  }
0x16: {  	s12 =	sadd.s32 s15, s14;
	s25 =	simm.s32 $0x8;
	s31 =	sshrl.u32 s10, $0x3;
	vm0 =	vlt.s32 v2, $0x500;
	v6 =	vadd.s32 s22, v1;
	vm1 =	vlt.s32 v3, $0x500  }
0x17: {  	s5 =	simm.s32 $0x5;
	s26 =	simm.s32 $0x4;
	s14 =	sadd.s32 s1, s31;
	v1 =	vnsel vm0, $0x500, v2;
	vm14 =	vlt.s32 v4, $0x500;
	vm15 =	vlt.s32 v5, $0x500  }
0x18: {  	s15 =	sadd.s32 s2, s31;
	s31 =	sshrl.u32 s17, $0x2;
	vm2 =	vlt.s32 v6, $0x500;
	s1 =	simm.s32 $0x0;
	v2 =	vnsel vm1, $0x500, v3;
	v3 =	vnsel vm14, $0x500, v4  }
0x19: {  	s17 =	sadd.s32 s31, s19;
	s19 =	sshll.u32 s7, $0x4;
	v4 =	vnsel vm15, $0x500, v5;
	v5 =	vnsel vm2, $0x500, v6;
	s7 =	simm.s32 $0x2F80;
	v6 =	vmov s10  }
.LBB2_6:
0x1a: {  	s2 =	rddreg [dreg:$0x8];
	s4 =	simm.s32 $0x3D80  }
0x1b: {  	[tilespmem:s4], [sflag:$0x8] =	stream.linear.gather [spmem:s2], $0x300, $0x38;
	[tilespmem:$0x4100] =	vst v63  }
0x1c: {  	_ =	swait.ge [sflag:s25], $0x300  }
0x1d: {  	[sflag:s25] =	ssyncset.done $0x0  }
0x1e: {  	[sflag:s25] =	ssyncadd.s32 $0xFFFFFD00  }
0x1f: {  	v9 =	vld [tilespmem:$0x3D80]  }
0x20: {  	v10 =	vld [tilespmem:$0x3DB0]  }
0x21: {  	v11 =	vld [tilespmem:$0x3DE0]  }
0x22: {  	v12 =	vld [tilespmem:$0x3E10]  }
0x23: {  	v13 =	vld [tilespmem:$0x3E40]  }
0x24: {  	v14 =	vld [tilespmem:$0x3E70]  }
0x25: {  	v15 =	vld [tilespmem:$0x3EA0];
	v16 =	vmin.f32 v9, v10  }
0x26: {  	v17 =	vld [tilespmem:$0x3ED0];
	v16 =	vmin.f32 v16, v11  }
0x27: {  	v18 =	vld [tilespmem:$0x3F00];
	v16 =	vmin.f32 v16, v12  }
0x28: {  	v19 =	vld [tilespmem:$0x3F30];
	v16 =	vmin.f32 v16, v13  }
0x29: {  	v20 =	vld [tilespmem:$0x3F60];
	v16 =	vmin.f32 v16, v14  }
0x2a: {  	v21 =	vld [tilespmem:$0x3F90];
	v16 =	vmin.f32 v16, v15  }
0x2b: {  	v22 =	vld [tilespmem:$0x3FC0];
	v16 =	vmin.f32 v16, v17  }
0x2c: {  	v23 =	vld [tilespmem:$0x3FF0];
	v16 =	vmin.f32 v16, v18  }
0x2d: {  	v24 =	vld [tilespmem:$0x4020];
	v16 =	vmin.f32 v16, v19  }
0x2e: {  	v25 =	vld [tilespmem:$0x4050];
	v16 =	vmin.f32 v16, v20  }
0x2f: {  	v16 =	vmin.f32 v16, v21  }
0x30: {  	v16 =	vmin.f32 v16, v22  }
0x31: {  	v16 =	vmin.f32 v16, v23  }
0x32: {  	v16 =	vmin.f32 v16, v24  }
0x33: {  	v16 =	vmin.f32 v16, v25  }
0x34: {  	(xrf0) =	vmin.scan.msk.f32 $0xffff, v16;
	_ =	sdelay $0x2  }
0x35: {  	v40 =	vld [tilespmem:$0x3D90];
	_ =	sdelay $0x2  }
0x36: {  	v26 =	vld [tilespmem:$0x3DC0];
	v27, _, _ =	vpop (xrf0)  }
0x37: {  	v27 =	vbroadcast v27, $0xF  }
0x38: {  	v28 =	vld [tilespmem:$0x3DF0];
	vm0 =	vlt.s32 v40, $0x40000000  }
0x39: {  	vm15 =	veq.f32 v9, v27;
	v9 =	vnsel vm0, $0x40000000, v40  }
0x3a: {  	v29 =	vld [tilespmem:$0x3E20];
	v9 =	vnsel vm15, $0x40000000, v9  }
0x3b: {  	vm10 =	vlt.s32 v9, v26  }
0x3c: {  	v30 =	vld [tilespmem:$0x3E50];
	vm13 =	veq.f32 v10, v27;
	vm14 =	veq.f32 v11, v27;
	v10 =	vsel vm10, v9, v26  }
0x3d: {  	v9 =	vsel vm13, v10, v9;
	v10 =	vnsel vm14, $0x40000000, v28  }
0x3e: {  	v11 =	vld [tilespmem:$0x3E80];
	vm12 =	veq.f32 v12, v27;
	vm11 =	vlt.s32 v9, v10  }
0x3f: {  	v9 =	vsel vm11, v9, v10;
	v10 =	vnsel vm12, $0x40000000, v29  }
0x40: {  	v41 =	vld [tilespmem:$0x3EB0];
	vm11 =	veq.f32 v13, v27;
	vm0 =	vlt.s32 v9, v10  }
0x41: {  	v9 =	vsel vm0, v9, v10;
	v10 =	vnsel vm11, $0x40000000, v30  }
0x42: {  	v42 =	vld [tilespmem:$0x3EE0];
	vm10 =	veq.f32 v14, v27;
	vm0 =	vlt.s32 v9, v10  }
0x43: {  	v9 =	vsel vm0, v9, v10;
	v10 =	vnsel vm10, $0x40000000, v11  }
0x44: {  	v43 =	vld [tilespmem:$0x3F10];
	vm9 =	veq.f32 v15, v27;
	vm0 =	vlt.s32 v9, v10  }
0x45: {  	v9 =	vsel vm0, v9, v10;
	v10 =	vnsel vm9, $0x40000000, v41  }
0x46: {  	v44 =	vld [tilespmem:$0x3F40];
	vm8 =	veq.f32 v17, v27;
	vm0 =	vlt.s32 v9, v10  }
0x47: {  	v9 =	vsel vm0, v9, v10;
	v10 =	vnsel vm8, $0x40000000, v42  }
0x48: {  	v45 =	vld [tilespmem:$0x3F70];
	vm7 =	veq.f32 v18, v27;
	vm0 =	vlt.s32 v9, v10  }
0x49: {  	v9 =	vsel vm0, v9, v10;
	v10 =	vnsel vm7, $0x40000000, v43  }
0x4a: {  	v46 =	vld [tilespmem:$0x3FA0];
	vm6 =	veq.f32 v19, v27;
	vm0 =	vlt.s32 v9, v10  }
0x4b: {  	v9 =	vsel vm0, v9, v10;
	v10 =	vnsel vm6, $0x40000000, v44  }
0x4c: {  	v47 =	vld [tilespmem:$0x3FD0];
	vm5 =	veq.f32 v20, v27;
	vm0 =	vlt.s32 v9, v10  }
0x4d: {  	v9 =	vsel vm0, v9, v10;
	v10 =	vnsel vm5, $0x40000000, v45  }
0x4e: {  	v48 =	vld [tilespmem:$0x4000];
	vm4 =	veq.f32 v21, v27;
	vm0 =	vlt.s32 v9, v10  }
0x4f: {  	v9 =	vsel vm0, v9, v10;
	v10 =	vnsel vm4, $0x40000000, v46  }
0x50: {  	v49 =	vld [tilespmem:$0x4030];
	vm3 =	veq.f32 v22, v27;
	vm0 =	vlt.s32 v9, v10  }
0x51: {  	v9 =	vsel vm0, v9, v10;
	v10 =	vnsel vm3, $0x40000000, v47  }
0x52: {  	v50 =	vld [tilespmem:$0x4060];
	vm2 =	veq.f32 v23, v27;
	vm0 =	vlt.s32 v9, v10  }
0x53: {  	v9 =	vsel vm0, v9, v10;
	v10 =	vnsel vm2, $0x40000000, v48  }
0x54: {  	vm1 =	veq.f32 v24, v27;
	vm0 =	vlt.s32 v9, v10  }
0x55: {  	v51 =	vimm.s32 $0x0;
	v9 =	vsel vm0, v9, v10;
	v10 =	vnsel vm1, $0x40000000, v49  }
0x56: {  	v23 =	vsel vm1, $0xFFFFFFFF, v51;
	vm1 =	veq.f32 v25, v27;
	vm0 =	vlt.s32 v9, v10  }
0x57: {  	v9 =	vsel vm0, v9, v10;
	v10 =	vnsel vm1, $0x40000000, v50  }
0x58: {  	vm0 =	vlt.s32 v9, v10  }
0x59: {  	v9 =	vsel vm0, v9, v10  }
0x5a: {  	v9 =	vxor.u32 $0x80000000, v9  }
0x5b: {  	(xrf0) =	vmin.scan.msk.u32 $0xffff, v9;
	_ =	sdelay $0x5  }
0x5c: {  	v9, _, _ =	vpop (xrf0)  }
0x5d: {  	(v2sf) =	vpush v9, $0xF;
	_ =	sdelay $0xb  }
0x5e: {  	v9 =	vld [tilespmem:$0x3DA0];
	_ =	sdelay $0x2  }
0x5f: {  	v10 =	vld [tilespmem:$0x3DD0];
	s6 =	spop (v2sf)  }
0x60: {  	v52 =	vimm.s32 $0x0;
	s20 =	sxor.u32 $0x80000000, s6  }
0x61: {  	v53 =	vld [tilespmem:$0x3E00];
	[tilespmem:$0x1FFE0] =	vst v23;
	v23 =	vsel vm1, $0xFFFFFFFF, v52;
	vm1 =	vlt.s32 v9, $0x40000000;
	vm0 =	veq.s32 v40, s20  }
0x62: {  	v9 =	vnsel vm1, $0x40000000, v9;
	vm0 =	vmand vm15, vm0  }
0x63: {  	v54 =	vld [tilespmem:$0x3E30];
	v9 =	vnsel vm0, $0x40000000, v9  }
0x64: {  	vm15 =	veq.s32 v28, s20;
	vm0 =	veq.s32 v26, s20;
	vm1 =	vlt.s32 v9, v10  }
0x65: {  	v55 =	vld [tilespmem:$0x3E60];
	vm0 =	vmand vm13, vm0;
	vm13 =	vmand vm14, vm15;
	v10 =	vsel vm1, v9, v10  }
0x66: {  	vm14 =	veq.s32 v29, s20;
	v9 =	vsel vm0, v10, v9;
	v10 =	vnsel vm13, $0x40000000, v53  }
0x67: {  	v56 =	vld [tilespmem:$0x3E90];
	vm0 =	vmand vm12, vm14;
	vm1 =	vlt.s32 v9, v10  }
0x68: {  	vm15 =	veq.s32 v30, s20;
	v9 =	vsel vm1, v9, v10;
	v10 =	vnsel vm0, $0x40000000, v54  }
0x69: {  	v57 =	vld [tilespmem:$0x3EC0];
	vm0 =	vmand vm11, vm15;
	vm1 =	vlt.s32 v9, v10  }
0x6a: {  	vm11 =	veq.s32 v11, s20;
	v9 =	vsel vm1, v9, v10;
	v10 =	vnsel vm0, $0x40000000, v55  }
0x6b: {  	v11 =	vld [tilespmem:$0x3EF0];
	vm0 =	vmand vm10, vm11;
	vm1 =	vlt.s32 v9, v10  }
0x6c: {  	vm12 =	veq.s32 v41, s20;
	v9 =	vsel vm1, v9, v10;
	v10 =	vnsel vm0, $0x40000000, v56  }
0x6d: {  	v58 =	vld [tilespmem:$0x3F20];
	vm0 =	vmand vm9, vm12;
	vm1 =	vlt.s32 v9, v10  }
0x6e: {  	vm13 =	veq.s32 v42, s20;
	v9 =	vsel vm1, v9, v10;
	v10 =	vnsel vm0, $0x40000000, v57  }
0x6f: {  	v59 =	vld [tilespmem:$0x3F50];
	vm0 =	vmand vm8, vm13;
	vm1 =	vlt.s32 v9, v10  }
0x70: {  	vm14 =	veq.s32 v43, s20;
	v9 =	vsel vm1, v9, v10;
	v10 =	vnsel vm0, $0x40000000, v11  }
0x71: {  	v11 =	vld [tilespmem:$0x3F80];
	vm0 =	vmand vm7, vm14;
	vm1 =	vlt.s32 v9, v10  }
0x72: {  	vm15 =	veq.s32 v44, s20;
	v9 =	vsel vm1, v9, v10;
	v10 =	vnsel vm0, $0x40000000, v58  }
0x73: {  	v60 =	vld [tilespmem:$0x3FB0];
	vm0 =	vmand vm6, vm15;
	vm1 =	vlt.s32 v9, v10  }
0x74: {  	vm6 =	veq.s32 v45, s20;
	v9 =	vsel vm1, v9, v10;
	v10 =	vnsel vm0, $0x40000000, v59  }
0x75: {  	v61 =	vld [tilespmem:$0x3FE0];
	vm0 =	vmand vm5, vm6;
	vm1 =	vlt.s32 v9, v10  }
0x76: {  	vm7 =	veq.s32 v46, s20;
	v9 =	vsel vm1, v9, v10;
	v10 =	vnsel vm0, $0x40000000, v11  }
0x77: {  	v11 =	vld [tilespmem:$0x4010];
	vm0 =	vmand vm4, vm7;
	vm1 =	vlt.s32 v9, v10  }
0x78: {  	vm8 =	veq.s32 v47, s20;
	v9 =	vsel vm1, v9, v10;
	v10 =	vnsel vm0, $0x40000000, v60  }
0x79: {  	vm0 =	vmand vm3, vm8;
	vm1 =	vlt.s32 v9, v10  }
0x7a: {  	vm9 =	veq.s32 v48, s20;
	v9 =	vsel vm1, v9, v10;
	v10 =	vnsel vm0, $0x40000000, v61  }
0x7b: {  	vm0 =	vmand vm2, vm9;
	vm1 =	vlt.s32 v9, v10  }
0x7c: {  	v9 =	vsel vm1, v9, v10;
	v10 =	vnsel vm0, $0x40000000, v11;
	v11 =	vld [tilespmem:$0x1FFE0];
	_ =	sdelay $0x3  }
0x7d: {  	v62 =	vld [tilespmem:$0x4040];
	[tilespmem:$0x1FFF0] =	vst v23  }
0x7e: {  	vm11 =	vnez.u8 v11;
	v11 =	vld [tilespmem:$0x1FFF0];
	_ =	sdelay $0x1  }
0x7f: {  	v63 =	vld [tilespmem:$0x4070]  }
0x80: {  	vm10 =	veq.s32 v49, s20  }
0x81: {  	vm13 =	veq.s32 v50, s20;
	vm12 =	vlt.s32 v9, v10;
	vm0 =	vmand vm11, vm10  }
0x82: {  	v9 =	vsel vm12, v9, v10;
	v10 =	vnsel vm0, $0x40000000, v62;
	vm14 =	vnez.u8 v11  }
0x83: {  	vm15 =	vlt.s32 v9, v10;
	vm0 =	vmand vm14, vm13  }
0x84: {  	v9 =	vsel vm15, v9, v10;
	v10 =	vnsel vm0, $0x40000000, v63  }
0x85: {  	vm0 =	vlt.s32 v9, v10  }
0x86: {  	v9 =	vsel vm0, v9, v10  }
0x87: {  	v9 =	vxor.u32 $0x80000000, v9  }
0x88: {  	(xrf0) =	vmin.scan.msk.u32 $0xffff, v9;
	_ =	sdelay $0x5  }
0x89: {  	v9, _, _ =	vpop (xrf0)  }
0x8a: {  	(v2sf) =	vpush v9, $0xF;
	_ =	sdelay $0xe  }
0x8b: {  	s21 =	spop (v2sf)  }
0x8c: {  	s2 =	sxor.u32 $0x80000000, s21  }
0x8d: {  	v9 =	vmov s2  }
0x8e: {  	s31 =	simm.s32 $0x3C80;
	s22 =	rddreg [dreg:$0x6];
	[tilespmem:$0x3C80] =	vst v9  }
0x8f: {  	[hbm4b:s22+s8] =	stream.linear.scatter [tilespmem:s31], [sflag:$0x8], $0x80, $0x38;
	[tilespmem:$0x4100] =	vst v63  }
0x90: {  	_ =	swait.ge [sflag:s25], $0x80  }
0x91: {  	[sflag:s25] =	ssyncset.done $0x0  }
0x92: {  	[sflag:s25] =	ssyncadd.s32 $0xFFFFFF80  }
.LBB2_19:
0x93: {  	s1 =	sadd.s32 $0x1, s1  }
0x94: {  	p2 =	sne.s32 s1, s18  }
.Ltmp1:
0x95: {  	_ = 	snop;
	(pc) =	sbr.rel @!p2 .LBB2_20-.Ltmp1, $1  }
0x96: {  	_ =	sdelay $0x3  }
.LBB2_1:
0x97: {  	[tilespmem:s8], [sflag:$0x1] =	stream.linear.gather [hbm4b:s11+s8], $0x510, $0x38;
	[tilespmem:$0x4100] =	vst v63  }
0x98: {  	s2 =	rddreg [dreg:$0x3];
	s4 =	simm.s32 $0x2F00  }
0x99: {  	[tilespmem:s4], [sflag:$0x4] =	stream.linear.gather [hbm4b:s2+s8], $0x1, $0x38;
	[tilespmem:$0x4100] =	vst v63  }
0x9a: {  	s22 =	simm.s32 $0x2500  }
0x9b: {  	[tilespmem:s22], [sflag:$0x2] =	stream.linear.gather [hbm4b:s12+s8], $0x4F0, $0x38;
	[tilespmem:$0x4100] =	vst v63  }
0x9c: {  	s31 =	simm.s32 $0x2A00  }
0x9d: {  	[tilespmem:s31], [sflag:$0x3] =	stream.linear.gather [hbm4b:s13+s8], $0x4F0, $0x38;
	[tilespmem:$0x4100] =	vst v63  }
0x9e: {  	[tilespmem:$0x2F80] =	vst v8  }
0x9f: {  	[tilespmem:$0x2F90] =	vst v8  }
0xa0: {  	[tilespmem:$0x2FA0] =	vst v8  }
0xa1: {  	[tilespmem:$0x2FB0] =	vst v8  }
0xa2: {  	[tilespmem:$0x2FC0] =	vst v8  }
0xa3: {  	[tilespmem:$0x2FD0] =	vst v8  }
0xa4: {  	[tilespmem:$0x2FE0] =	vst v8  }
0xa5: {  	[tilespmem:$0x2FF0] =	vst v8  }
0xa6: {  	[tilespmem:$0x3000] =	vst v8  }
0xa7: {  	[tilespmem:$0x3010] =	vst v8  }
0xa8: {  	[tilespmem:$0x3020] =	vst v8  }
0xa9: {  	[tilespmem:$0x3030] =	vst v8  }
0xaa: {  	[tilespmem:$0x3040] =	vst v8  }
0xab: {  	[tilespmem:$0x3050] =	vst v8  }
0xac: {  	[tilespmem:$0x3060] =	vst v8  }
0xad: {  	[tilespmem:$0x3070] =	vst v8  }
0xae: {  	[tilespmem:$0x3080] =	vst v8  }
0xaf: {  	[tilespmem:$0x3090] =	vst v8  }
0xb0: {  	[tilespmem:$0x30A0] =	vst v8  }
0xb1: {  	[tilespmem:$0x30B0] =	vst v8  }
0xb2: {  	[tilespmem:$0x30C0] =	vst v8  }
0xb3: {  	[tilespmem:$0x30D0] =	vst v8  }
0xb4: {  	[tilespmem:$0x30E0] =	vst v8  }
0xb5: {  	[tilespmem:$0x30F0] =	vst v8  }
0xb6: {  	[tilespmem:$0x3100] =	vst v8  }
0xb7: {  	[tilespmem:$0x3110] =	vst v8  }
0xb8: {  	[tilespmem:$0x3120] =	vst v8  }
0xb9: {  	[tilespmem:$0x3130] =	vst v8  }
0xba: {  	[tilespmem:$0x3140] =	vst v8  }
0xbb: {  	[tilespmem:$0x3150] =	vst v8  }
0xbc: {  	[tilespmem:$0x3160] =	vst v8  }
0xbd: {  	[tilespmem:$0x3170] =	vst v8  }
0xbe: {  	[tilespmem:$0x3180] =	vst v8  }
0xbf: {  	[tilespmem:$0x3190] =	vst v8  }
0xc0: {  	[tilespmem:$0x31A0] =	vst v8  }
0xc1: {  	[tilespmem:$0x31B0] =	vst v8  }
0xc2: {  	[tilespmem:$0x31C0] =	vst v8  }
0xc3: {  	[tilespmem:$0x31D0] =	vst v8  }
0xc4: {  	[tilespmem:$0x31E0] =	vst v8  }
0xc5: {  	[tilespmem:$0x31F0] =	vst v8  }
0xc6: {  	[tilespmem:$0x3200] =	vst v8  }
0xc7: {  	[tilespmem:$0x3210] =	vst v8  }
0xc8: {  	[tilespmem:$0x3220] =	vst v8  }
0xc9: {  	[tilespmem:$0x3230] =	vst v8  }
0xca: {  	[tilespmem:$0x3240] =	vst v8  }
0xcb: {  	[tilespmem:$0x3250] =	vst v8  }
0xcc: {  	[tilespmem:$0x3260] =	vst v8  }
0xcd: {  	[tilespmem:$0x3270] =	vst v8  }
0xce: {  	[tilespmem:$0x3280] =	vst v8  }
0xcf: {  	[tilespmem:$0x3290] =	vst v8  }
0xd0: {  	[tilespmem:$0x32A0] =	vst v8  }
0xd1: {  	[tilespmem:$0x32B0] =	vst v8  }
0xd2: {  	[tilespmem:$0x32C0] =	vst v8  }
0xd3: {  	[tilespmem:$0x32D0] =	vst v8  }
0xd4: {  	[tilespmem:$0x32E0] =	vst v8  }
0xd5: {  	[tilespmem:$0x32F0] =	vst v8  }
0xd6: {  	[tilespmem:$0x3300] =	vst v8  }
0xd7: {  	[tilespmem:$0x3310] =	vst v8  }
0xd8: {  	[tilespmem:$0x3320] =	vst v8  }
0xd9: {  	[tilespmem:$0x3330] =	vst v8  }
0xda: {  	[tilespmem:$0x3340] =	vst v8  }
0xdb: {  	[tilespmem:$0x3350] =	vst v8  }
0xdc: {  	[tilespmem:$0x3360] =	vst v8  }
0xdd: {  	[tilespmem:$0x3370] =	vst v8  }
0xde: {  	[tilespmem:$0x3380] =	vst v8  }
0xdf: {  	[tilespmem:$0x3390] =	vst v8  }
0xe0: {  	[tilespmem:$0x33A0] =	vst v8  }
0xe1: {  	[tilespmem:$0x33B0] =	vst v8  }
0xe2: {  	[tilespmem:$0x33C0] =	vst v8  }
0xe3: {  	[tilespmem:$0x33D0] =	vst v8  }
0xe4: {  	[tilespmem:$0x33E0] =	vst v8  }
0xe5: {  	[tilespmem:$0x33F0] =	vst v8  }
0xe6: {  	[tilespmem:$0x3400] =	vst v8  }
0xe7: {  	[tilespmem:$0x3410] =	vst v8  }
0xe8: {  	[tilespmem:$0x3420] =	vst v8  }
0xe9: {  	[tilespmem:$0x3430] =	vst v8  }
0xea: {  	[tilespmem:$0x3440] =	vst v8  }
0xeb: {  	[tilespmem:$0x3450] =	vst v8  }
0xec: {  	[tilespmem:$0x3460] =	vst v8  }
0xed: {  	[tilespmem:$0x3470] =	vst v8  }
0xee: {  	[tilespmem:$0x3480] =	vst v8  }
0xef: {  	[tilespmem:$0x3490] =	vst v8  }
0xf0: {  	[tilespmem:$0x34A0] =	vst v8  }
0xf1: {  	[tilespmem:$0x34B0] =	vst v8  }
0xf2: {  	[tilespmem:$0x34C0] =	vst v8  }
0xf3: {  	[tilespmem:$0x34D0] =	vst v8  }
0xf4: {  	[tilespmem:$0x34E0] =	vst v8  }
0xf5: {  	[tilespmem:$0x34F0] =	vst v8  }
0xf6: {  	[tilespmem:$0x3500] =	vst v8  }
0xf7: {  	[tilespmem:$0x3510] =	vst v8  }
0xf8: {  	[tilespmem:$0x3520] =	vst v8  }
0xf9: {  	[tilespmem:$0x3530] =	vst v8  }
0xfa: {  	[tilespmem:$0x3540] =	vst v8  }
0xfb: {  	[tilespmem:$0x3550] =	vst v8  }
0xfc: {  	[tilespmem:$0x3560] =	vst v8  }
0xfd: {  	[tilespmem:$0x3570] =	vst v8  }
0xfe: {  	[tilespmem:$0x3580] =	vst v8  }
0xff: {  	[tilespmem:$0x3590] =	vst v8  }
0x100: {  	[tilespmem:$0x35A0] =	vst v8  }
0x101: {  	[tilespmem:$0x35B0] =	vst v8  }
0x102: {  	[tilespmem:$0x35C0] =	vst v8  }
0x103: {  	[tilespmem:$0x35D0] =	vst v8  }
0x104: {  	[tilespmem:$0x35E0] =	vst v8  }
0x105: {  	[tilespmem:$0x35F0] =	vst v8  }
0x106: {  	[tilespmem:$0x3600] =	vst v8  }
0x107: {  	[tilespmem:$0x3610] =	vst v8  }
0x108: {  	[tilespmem:$0x3620] =	vst v8  }
0x109: {  	[tilespmem:$0x3630] =	vst v8  }
0x10a: {  	[tilespmem:$0x3640] =	vst v8  }
0x10b: {  	[tilespmem:$0x3650] =	vst v8  }
0x10c: {  	[tilespmem:$0x3660] =	vst v8  }
0x10d: {  	[tilespmem:$0x3670] =	vst v8  }
0x10e: {  	[tilespmem:$0x3680] =	vst v8  }
0x10f: {  	[tilespmem:$0x3690] =	vst v8  }
0x110: {  	[tilespmem:$0x36A0] =	vst v8  }
0x111: {  	[tilespmem:$0x36B0] =	vst v8  }
0x112: {  	[tilespmem:$0x36C0] =	vst v8  }
0x113: {  	[tilespmem:$0x36D0] =	vst v8  }
0x114: {  	[tilespmem:$0x36E0] =	vst v8  }
0x115: {  	[tilespmem:$0x36F0] =	vst v8  }
0x116: {  	[tilespmem:$0x3700] =	vst v8  }
0x117: {  	[tilespmem:$0x3710] =	vst v8  }
0x118: {  	[tilespmem:$0x3720] =	vst v8  }
0x119: {  	[tilespmem:$0x3730] =	vst v8  }
0x11a: {  	[tilespmem:$0x3740] =	vst v8  }
0x11b: {  	[tilespmem:$0x3750] =	vst v8  }
0x11c: {  	[tilespmem:$0x3760] =	vst v8  }
0x11d: {  	[tilespmem:$0x3770] =	vst v8  }
0x11e: {  	[tilespmem:$0x3780] =	vst v8  }
0x11f: {  	[tilespmem:$0x3790] =	vst v8  }
0x120: {  	[tilespmem:$0x37A0] =	vst v8  }
0x121: {  	[tilespmem:$0x37B0] =	vst v8  }
0x122: {  	[tilespmem:$0x37C0] =	vst v8  }
0x123: {  	[tilespmem:$0x37D0] =	vst v8  }
0x124: {  	[tilespmem:$0x37E0] =	vst v8  }
0x125: {  	[tilespmem:$0x37F0] =	vst v8  }
0x126: {  	[tilespmem:$0x3800] =	vst v8  }
0x127: {  	[tilespmem:$0x3810] =	vst v8  }
0x128: {  	[tilespmem:$0x3820] =	vst v8  }
0x129: {  	[tilespmem:$0x3830] =	vst v8  }
0x12a: {  	[tilespmem:$0x3840] =	vst v8  }
0x12b: {  	[tilespmem:$0x3850] =	vst v8  }
0x12c: {  	[tilespmem:$0x3860] =	vst v8  }
0x12d: {  	[tilespmem:$0x3870] =	vst v8  }
0x12e: {  	[tilespmem:$0x3880] =	vst v8  }
0x12f: {  	[tilespmem:$0x3890] =	vst v8  }
0x130: {  	[tilespmem:$0x38A0] =	vst v8  }
0x131: {  	[tilespmem:$0x38B0] =	vst v8  }
0x132: {  	[tilespmem:$0x38C0] =	vst v8  }
0x133: {  	[tilespmem:$0x38D0] =	vst v8  }
0x134: {  	[tilespmem:$0x38E0] =	vst v8  }
0x135: {  	[tilespmem:$0x38F0] =	vst v8  }
0x136: {  	[tilespmem:$0x3900] =	vst v8  }
0x137: {  	[tilespmem:$0x3910] =	vst v8  }
0x138: {  	[tilespmem:$0x3920] =	vst v8  }
0x139: {  	[tilespmem:$0x3930] =	vst v8  }
0x13a: {  	[tilespmem:$0x3940] =	vst v8  }
0x13b: {  	[tilespmem:$0x3950] =	vst v8  }
0x13c: {  	[tilespmem:$0x3960] =	vst v8  }
0x13d: {  	[tilespmem:$0x3970] =	vst v8  }
0x13e: {  	[tilespmem:$0x3980] =	vst v8  }
0x13f: {  	[tilespmem:$0x3990] =	vst v8  }
0x140: {  	[tilespmem:$0x39A0] =	vst v8  }
0x141: {  	[tilespmem:$0x39B0] =	vst v8  }
0x142: {  	[tilespmem:$0x39C0] =	vst v8  }
0x143: {  	[tilespmem:$0x39D0] =	vst v8  }
0x144: {  	[tilespmem:$0x39E0] =	vst v8  }
0x145: {  	[tilespmem:$0x39F0] =	vst v8  }
0x146: {  	[tilespmem:$0x3A00] =	vst v8  }
0x147: {  	[tilespmem:$0x3A10] =	vst v8  }
0x148: {  	[tilespmem:$0x3A20] =	vst v8  }
0x149: {  	[tilespmem:$0x3A30] =	vst v8  }
0x14a: {  	[tilespmem:$0x3A40] =	vst v8  }
0x14b: {  	[tilespmem:$0x3A50] =	vst v8  }
0x14c: {  	[tilespmem:$0x3A60] =	vst v8  }
0x14d: {  	[tilespmem:$0x3A70] =	vst v8  }
0x14e: {  	[tilespmem:$0x3A80] =	vst v8  }
0x14f: {  	[tilespmem:$0x3A90] =	vst v8  }
0x150: {  	[tilespmem:$0x3AA0] =	vst v8  }
0x151: {  	[tilespmem:$0x3AB0] =	vst v8  }
0x152: {  	[tilespmem:$0x3AC0] =	vst v8  }
0x153: {  	[tilespmem:$0x3AD0] =	vst v8  }
0x154: {  	[tilespmem:$0x3AE0] =	vst v8  }
0x155: {  	[tilespmem:$0x3AF0] =	vst v8  }
0x156: {  	[tilespmem:$0x3B00] =	vst v8  }
0x157: {  	[tilespmem:$0x3B10] =	vst v8  }
0x158: {  	[tilespmem:$0x3B20] =	vst v8  }
0x159: {  	[tilespmem:$0x3B30] =	vst v8  }
0x15a: {  	[tilespmem:$0x3B40] =	vst v8  }
0x15b: {  	[tilespmem:$0x3B50] =	vst v8  }
0x15c: {  	[tilespmem:$0x3B60] =	vst v8  }
0x15d: {  	[tilespmem:$0x3B70] =	vst v8  }
0x15e: {  	[tilespmem:$0x3B80] =	vst v8  }
0x15f: {  	[tilespmem:$0x3B90] =	vst v8  }
0x160: {  	[tilespmem:$0x3BA0] =	vst v8  }
0x161: {  	[tilespmem:$0x3BB0] =	vst v8  }
0x162: {  	[tilespmem:$0x3BC0] =	vst v8  }
0x163: {  	[tilespmem:$0x3BD0] =	vst v8  }
0x164: {  	[tilespmem:$0x3BE0] =	vst v8  }
0x165: {  	[tilespmem:$0x3BF0] =	vst v8  }
0x166: {  	[tilespmem:$0x3C00] =	vst v8  }
0x167: {  	[tilespmem:$0x3C10] =	vst v8  }
0x168: {  	_ =	swait.ge [sflag:s23], $0x510  }
0x169: {  	[sflag:s23] =	ssyncset.done $0x0  }
0x16a: {  	[sflag:s23] =	ssyncadd.s32 $0xFFFFFAF0  }
0x16b: {  	v9 =	vld.idx.msk [tilespmem:v1+s8+$0x0], $0xffff;
	_ =	sdelay $0x4  }
0x16c: {  	[tilespmem:$0x580] =	vst v9  }
0x16d: {  	v9 =	vld.idx.msk [tilespmem:v2+s8+$0x0], $0xffff;
	_ =	sdelay $0x4  }
0x16e: {  	[tilespmem:$0x590] =	vst v9  }
0x16f: {  	v9 =	vld.idx.msk [tilespmem:v3+s8+$0x0], $0xffff;
	_ =	sdelay $0x4  }
0x170: {  	[tilespmem:$0x5A0] =	vst v9  }
0x171: {  	v9 =	vld.idx.msk [tilespmem:v4+s8+$0x0], $0xffff;
	_ =	sdelay $0x4  }
0x172: {  	[tilespmem:$0x5B0] =	vst v9  }
0x173: {  	v9 =	vld.idx.msk [tilespmem:v5+s8+$0x0], $0xffff;
	_ =	sdelay $0x4  }
0x174: {  	[tilespmem:$0x5C0] =	vst v9  }
0x175: {  	[spmem:s16] =	stream.linear.scatter [tilespmem:s24], [sflag:$0x8], $0x50, $0x38;
	[tilespmem:$0x4100] =	vst v63  }
0x176: {  	_ =	swait.ge [sflag:s25], $0x50  }
0x177: {  	[sflag:s25] =	ssyncset.done $0x0  }
0x178: {  	[sflag:s25] =	ssyncadd.s32 $0xFFFFFFB0  }
0x179: {  	_ =	swait.ge [sflag:s26], $0x1  }
0x17a: {  	[sflag:s26] =	ssyncset.done $0x0  }
0x17b: {  	[sflag:s26] =	ssyncadd.s32 $0xFFFFFFFF  }
0x17c: {  	_ =	swait.ge [sflag:s28], $0x4F0  }
0x17d: {  	[sflag:s28] =	ssyncset.done $0x0  }
0x17e: {  	[sflag:s28] =	ssyncadd.s32 $0xFFFFFB10  }
0x17f: {  	_ =	swait.ge [sflag:s29], $0x4F0  }
0x180: {  	[sflag:s29] =	ssyncset.done $0x0  }
.Ltmp2:
0x181: {  	[sflag:s29] =	ssyncadd.s32 $0xFFFFFB10;
	(pc) =	sbr.rel @p0 .LBB2_5-.Ltmp2, $1  }
0x182: {  	v9 =	vld.msk [tilespmem:$0x2F00 ss:$0x0], $0xffff;
	_ =	sdelay $0x3  }
0x183: {  	s2 =	simm.s32 $0x0  }
0x184: {  	v10 =	vld [tilespmem:s2+$0x2500];
	_ =	sdelay $0x3  }
0x185: {  	v11 =	vld [tilespmem:s2+$0x2A00]  }
0x186: {  	s4 =	simm.s32 $0x10;
	v10 =	vsub.f32 v10, v9  }
0x187: {  	v14 =	vld [tilespmem:s4+$0x2500]  }
0x188: {  	v12 =	vimm.f32 $+Inf;
	v13 =	vand.u32 $0x7FFFFFFF, v10;
	v10 =	vld [tilespmem:s4+$0x2A00]  }
0x189: {  	v15 =	vimm.s32 $0x0;
	v16 =	vor.u32 s19, v0;
	vm0 =	vlt.f32 v13, v12  }
0x18a: {  	s2 =	simm.s32 $0x80;
	s4 =	smov.u32 s19;
	v12 =	vsel vm0, v13, v12;
	v13 =	vsel vm0, v16, v15;
	v11 =	vsel vm0, v11, v15  }
.LBB2_3:
0x18b: {  	p2 =	sne.s32 s2, $0x1380  }
.Ltmp3:
0x18c: {  	s6 =	sshra.s32 s2, $0x2;
	s2 =	sadd.s32 $0x40, s2;
	v15 =	vsub.f32 v14, v9;
	(pc) =	sbr.rel @p2 .LBB2_3-.Ltmp3, $4  }
0x18d: {  	v14 =	vld [tilespmem:s6+$0x2500];
	v16 =	vmov v10  }
0x18e: {  	s4 =	sadd.s32 $0x10, s4;
	v10 =	vld [tilespmem:s6+$0x2A00];
	v15 =	vand.u32 $0x7FFFFFFF, v15  }
0x18f: {  	v17 =	vor.u32 s4, v0;
	vm0 =	vlt.f32 v15, v12  }
0x190: {  	v12 =	vsel vm0, v15, v12;
	v13 =	vsel vm0, v17, v13;
	v11 =	vsel vm0, v16, v11  }
0x191: {  	_ = 	snop  }
0x192: {  	v14 =	vsub.f32 v14, v9;
	_ =	sdelay $0x1  }
0x193: {  	v14 =	vand.u32 $0x7FFFFFFF, v14  }
0x194: {  	s2 =	sadd.s32 $0x10, s4;
	vm0 =	vlt.f32 v14, v12  }
0x195: {  	v15 =	vor.u32 s2, v0;
	v12 =	vsel vm0, v14, v12  }
0x196: {  	v13 =	vsel vm0, v15, v13;
	[tilespmem:$0x3D00] =	vst v12  }
0x197: {  	v10 =	vsel vm0, v10, v11;
	[tilespmem:$0x3D10] =	vst v13  }
0x198: {  	s31 =	simm.s32 $0x3D00;
	[tilespmem:$0x3D20] =	vst v10  }
0x199: {  	[spmem:s17] =	stream.linear.scatter [tilespmem:s31], [sflag:$0x8], $0x30, $0x38;
	[tilespmem:$0x4100] =	vst v63  }
0x19a: {  	_ =	swait.ge [sflag:s25], $0x30  }
0x19b: {  	[sflag:s25] =	ssyncset.done $0x0  }
0x19c: {  	[sflag:s25] =	ssyncadd.s32 $0xFFFFFFD0  }
.LBB2_5:
.Ltmp4:
0x19d: {  	(pc) =	sbr.rel @!p1 .LBB2_6-.Ltmp4, $2  }
0x19e: {  	_ =	sdelay $0x1  }
0x19f: {  	[bflag:$0x0] =	sbarrier.arrive $0xFFFF;
	_ =	sdelay $0x1  }
0x1a0: {  	s2 =	rddreg [dreg:$0x7]  }
0x1a1: {  	[tilespmem:s3], [sflag:$0x8] =	stream.linear.gather [spmem:s2], $0x500, $0x38;
	[tilespmem:$0x4100] =	vst v63  }
0x1a2: {  	s6 =	simm.s32 $0x0;
	s31 =	simm.s32 $0x4E2;
	_ =	swait.ge [sflag:s25], $0x500  }
0x1a3: {  	s21 =	simm.s32 $0x4E2;
	s4 =	simm.s32 $0x0;
	[sflag:s25] =	ssyncset.done $0x0  }
0x1a4: {  	s20 =	simm.s32 $0x4E2;
	s2 =	simm.s32 $0xB;
	[sflag:s25] =	ssyncadd.s32 $0xFFFFFB00  }
.LBB2_8:
0x1a5: {  	s22 =	smov.u32 s20  }
0x1a6: {  	p2 =	sne.s32 s2, $0x1;
	s20 =	sshrl.u32 s21, $0x1F  }
0x1a7: {  	s20 =	sadd.s32 s20, s21  }
0x1a8: {  	s20 =	sshra.s32 s20, $0x1  }
0x1a9: {  	p3 =	slt.s32 s20, $0x4E1;
	s21 =	smov.u32 s20  }
0x1aa: {  	s21 =	simm.s32 @!p3 $0x4E1  }
0x1ab: {  	v10 =	vmov s21;
	_ =	sdelay $0x4  }
0x1ac: {  	v10 =	vld.idx.msk [tilespmem:v10+s3+$0x0], $0xffff;
	_ =	sdelay $0x5  }
0x1ad: {  	(v2sf) =	vpush v10, $0x0;
	_ =	sdelay $0xd  }
.Ltmp5:
0x1ae: {  	(pc) =	sbr.rel @p2 .LBB2_8-.Ltmp5, $4  }
0x1af: {  	s21 =	spop (v2sf)  }
0x1b0: {  	p3 =	slt.s32 s21, s10;
	s21 =	sadd.s32 $0x1, s20  }
0x1b1: {  	s4 =	smov.u32 @p3 s21;
	s20 =	smov.u32 @p3 s22  }
0x1b2: {  	s2 =	sadd.s32 $0xFFFFFFFF, s2;
	s21 =	sadd.s32 s4, s20  }
0x1b3: {  	s2 =	sshrl.u32 s21, $0x1F  }
0x1b4: {  	s2 =	sadd.s32 s2, s21  }
0x1b5: {  	s2 =	sshra.s32 s2, $0x1  }
0x1b6: {  	p2 =	slt.s32 s2, $0x4E1  }
0x1b7: {  	s20 =	sadd.s32 $0x1, s2;
	s2 =	simm.s32 @!p2 $0x4E1  }
0x1b8: {  	v10 =	vmov s2;
	_ =	sdelay $0x4  }
0x1b9: {  	v10 =	vld.idx.msk [tilespmem:v10+s3+$0x0], $0xffff;
	_ =	sdelay $0x4  }
0x1ba: {  	(v2sf) =	vpush v10, $0x0;
	_ =	sdelay $0xe  }
0x1bb: {  	s22 =	spop (v2sf)  }
0x1bc: {  	p2 =	slt.s32 s22, s10  }
0x1bd: {  	s2 =	simm.s32 $0xB;
	s4 =	smov.u32 @p2 s20;
	s20 =	simm.s32 $0x4E2  }
.LBB2_10:
0x1be: {  	s21 =	smov.u32 s31  }
0x1bf: {  	p2 =	sne.s32 s2, $0x1;
	s22 =	sshrl.u32 s20, $0x1F  }
0x1c0: {  	s20 =	sadd.s32 s22, s20  }
0x1c1: {  	s31 =	sshra.s32 s20, $0x1  }
0x1c2: {  	p3 =	slt.s32 s31, $0x4E1;
	s20 =	smov.u32 s31  }
0x1c3: {  	s20 =	simm.s32 @!p3 $0x4E1  }
0x1c4: {  	v10 =	vmov s20;
	_ =	sdelay $0x4  }
0x1c5: {  	v10 =	vld.idx.msk [tilespmem:v10+s3+$0x0], $0xffff;
	_ =	sdelay $0x5  }
0x1c6: {  	(v2sf) =	vpush v10, $0x0;
	_ =	sdelay $0xd  }
.Ltmp6:
0x1c7: {  	(pc) =	sbr.rel @p2 .LBB2_10-.Ltmp6, $4  }
0x1c8: {  	s20 =	spop (v2sf)  }
0x1c9: {  	p3 =	slt.s32 s20, s9;
	s20 =	sadd.s32 $0x1, s31  }
0x1ca: {  	s6 =	smov.u32 @p3 s20;
	s31 =	smov.u32 @p3 s21  }
0x1cb: {  	s2 =	sadd.s32 $0xFFFFFFFF, s2;
	s20 =	sadd.s32 s6, s31  }
0x1cc: {  	s2 =	sshrl.u32 s20, $0x1F  }
0x1cd: {  	s2 =	sadd.s32 s2, s20  }
0x1ce: {  	s2 =	sshra.s32 s2, $0x1  }
0x1cf: {  	p2 =	slt.s32 s2, $0x4E1  }
0x1d0: {  	s20 =	sadd.s32 $0x1, s2;
	s2 =	simm.s32 @!p2 $0x4E1  }
0x1d1: {  	v10 =	vmov s2;
	_ =	sdelay $0x4  }
0x1d2: {  	v10 =	vld.idx.msk [tilespmem:v10+s3+$0x0], $0xffff;
	_ =	sdelay $0x4  }
0x1d3: {  	(v2sf) =	vpush v10, $0x0;
	_ =	sdelay $0x3  }
0x1d4: {  	p2 =	sgt.s32 s4, $0x1  }
0x1d5: {  	s4 =	simm.s32 @!p2 $0x1  }
0x1d6: {  	s2 =	smin.u32 s4, $0x4E2  }
0x1d7: {  	s4 =	sadd.s32 $0xFFFFFFFF, s2  }
0x1d8: {  	s4 =	smin.u32 s4, $0x416  }
0x1d9: {  	s22 =	rddreg [dreg:$0x0];
	s21 =	sshll.u32 s4, $0x1  }
0x1da: {  	s31 =	simm.s32 $0xB00;
	s22 =	sadd.s32 s22, s21  }
0x1db: {  	[tilespmem:s31], [sflag:$0x5] =	stream.linear.gather [hbm4b:s22+s8], $0xCC0, $0x38;
	[tilespmem:$0x4100] =	vst v63  }
0x1dc: {  	s31 =	rddreg [dreg:$0x1]  }
0x1dd: {  	s21 =	sadd.s32 s31, s21;
	s31 =	simm.s32 $0x1800  }
0x1de: {  	[tilespmem:s31], [sflag:$0x1] =	stream.linear.gather [hbm4b:s21+s8], $0xCC0, $0x38;
	[tilespmem:$0x4100] =	vst v63  }
0x1df: {  	s31 =	spop (v2sf)  }
0x1e0: {  	p2 =	slt.s32 s31, s9  }
0x1e1: {  	s6 =	smov.u32 @p2 s20  }
0x1e2: {  	_ =	swait.ge [sflag:s5], $0xCC0;
	p2 =	slt.s32 s6, s2  }
.Ltmp7:
0x1e3: {  	[sflag:s5] =	ssyncset.done $0x0;
	(pc) =	sbr.rel @p2 .LBB2_18-.Ltmp7, $4  }
0x1e4: {  	[sflag:s5] =	ssyncadd.s32 $0xFFFFF340  }
0x1e5: {  	_ =	swait.ge [sflag:s23], $0xCC0  }
0x1e6: {  	[sflag:s23] =	ssyncset.done $0x0  }
0x1e7: {  	[sflag:s23] =	ssyncadd.s32 $0xFFFFF340  }
0x1e8: {  	s6 =	smin.u32 s6, $0x4E2  }
0x1e9: {  	s6 =	smax.u32 s6, s2  }
0x1ea: {  	s31 =	ssub.s32 s6, s2  }
0x1eb: {  	s6 =	sadd.s32 $0x1, s31  }
0x1ec: {  	p3 =	sne.s32 s6, $0x1  }
.Ltmp8:
0x1ed: {  	s20 =	sshll.u32 s2, $0x6;
	s4 =	sshll.u32 s4, $0x6;
	(pc) =	sbr.rel @!p3 .LBB2_13-.Ltmp8, $4  }
0x1ee: {  	s4 =	ssub.s32 s20, s4  }
0x1ef: {  	s4 =	sshra.s32 s4, $0x2  }
0x1f0: {  	s2 =	sadd.s32 $0x17F0, s4  }
0x1f1: {  	p2 =	por $0x0, $0x0;
	s4 =	sadd.s32 $0xAF0, s4;
	v10 =	vld [tilespmem:s2+$0x0];
	s6 =	sadd.s32 $0xFFFFFFFF, s6  }
0x1f2: {  	_ =	sdelay $0x3  }
0x1f3: {  	v10 =	vsub.f32 v10, v9;
	_ =	sdelay $0x1  }
0x1f4: {  	v10 =	vadd.f32 v10, v10;
	_ =	sdelay $0x1  }
0x1f5: {  	v10 =	vmul.f32 $1.442695020e+00, v10;
	_ =	sdelay $0x1  }
0x1f6: {  	(erf) = vpow2.f32 v10;
	_ =	sdelay $0x8  }
0x1f7: {  	v10 =	vld [tilespmem:s4+$0x0];
	v11 =	vpop (erf)  }
0x1f8: {  	v11 =	vadd.f32 $1.000000000e+00, v11;
	_ =	sdelay $0x1  }
0x1f9: {  	(erf) = vrcp.f32 v11;
	_ =	sdelay $0x1  }
0x1fa: {  	v11 =	vsub.s32 v10, v6  }
0x1fb: {  	vm0 =	vge.s32 v10, v6;
	vm1 =	vlt.s32 v10, v7;
	vm2 =	vgt.s32 v11, $0x0  }
0x1fc: {  	vm0 =	vmand vm0, vm1;
	v10 =	vnsel vm2, $0x0, v11  }
0x1fd: {  	v10 =	vmin.u32 v10, $0xC9F  }
0x1fe: {  	p3 =	sne.s32 s6, $0x1  }
.Ltmp9:
0x1ff: {  	_ = 	snop;
	(pc) =	sbr.rel @!p3 .LBB2_15-.Ltmp9, $4  }
0x200: {  	_ = 	snop  }
0x201: {  	v11 =	vpop (erf)  }
0x202: {  	s31 =	sadd.s32 $0x10, s2;
	[tilespmem:v10+s7+$0x0] =	vst.idx.msk vm0, v11  }
0x203: {  	s2 =	sadd.s32 $0xFFFFFFFF, s6;
	p2 =	por $0x1, $0x1;
	s6 =	smov.u32 s4;
	v10 =	vld [tilespmem:s31+$0x0]  }
.LBB2_16:
0x204: {  	p3 =	sne.s32 s2, $0x1;
	_ =	sdelay $0x3  }
0x205: {  	v10 =	vsub.f32 v10, v9;
	_ =	sdelay $0x1  }
0x206: {  	v10 =	vadd.f32 v10, v10;
	_ =	sdelay $0x1  }
0x207: {  	v10 =	vmul.f32 $1.442695020e+00, v10;
	_ =	sdelay $0x1  }
0x208: {  	(erf) = vpow2.f32 v10;
	_ =	sdelay $0x7  }
0x209: {  	s6 =	sadd.s32 $0x10, s6  }
0x20a: {  	v10 =	vld [tilespmem:s6+$0x0];
	v11 =	vpop (erf)  }
0x20b: {  	v11 =	vadd.f32 $1.000000000e+00, v11;
	_ =	sdelay $0x1  }
0x20c: {  	(erf) = vrcp.f32 v11;
	_ =	sdelay $0x1  }
0x20d: {  	v11 =	vsub.s32 v10, v6  }
0x20e: {  	vm0 =	vge.s32 v10, v6;
	vm1 =	vlt.s32 v10, v7;
	vm2 =	vgt.s32 v11, $0x0  }
0x20f: {  	vm0 =	vmand vm0, vm1;
	v10 =	vnsel vm2, $0x0, v11  }
0x210: {  	v10 =	vmin.u32 v10, $0xC9F;
	_ =	sdelay $0x1  }
.Ltmp10:
0x211: {  	(pc) =	sbr.rel @p3 .LBB2_16-.Ltmp10, $4  }
0x212: {  	_ = 	snop  }
0x213: {  	v11 =	vpop (erf)  }
0x214: {  	s31 =	sadd.s32 $0x10, s31;
	[tilespmem:v10+s7+$0x0] =	vst.idx.msk vm0, v11  }
0x215: {  	s2 =	sadd.s32 $0xFFFFFFFF, s2;
	v10 =	vld [tilespmem:s31+$0x0]  }
.LBB2_17:
0x216: {  	_ =	sdelay $0x3  }
0x217: {  	v9 =	vsub.f32 v10, v9;
	_ =	sdelay $0x1  }
0x218: {  	v9 =	vadd.f32 v9, v9;
	_ =	sdelay $0x1  }
0x219: {  	v9 =	vmul.f32 $1.442695020e+00, v9;
	_ =	sdelay $0x1  }
0x21a: {  	(erf) = vpow2.f32 v9;
	_ =	sdelay $0x6  }
0x21b: {  	s2 =	sadd.s32 @p2 $0x10, s6  }
0x21c: {  	s4 =	smov.u32 @p2 s2  }
0x21d: {  	v9 =	vld [tilespmem:s4+$0x0];
	v10 =	vpop (erf)  }
0x21e: {  	v10 =	vadd.f32 $1.000000000e+00, v10;
	_ =	sdelay $0x1  }
0x21f: {  	(erf) = vrcp.f32 v10;
	_ =	sdelay $0x1  }
0x220: {  	v10 =	vsub.s32 v9, v6  }
0x221: {  	vm0 =	vge.s32 v9, v6;
	vm1 =	vlt.s32 v9, v7;
	vm2 =	vgt.s32 v10, $0x0  }
0x222: {  	vm0 =	vmand vm0, vm1;
	v9 =	vnsel vm2, $0x0, v10  }
0x223: {  	v9 =	vmin.u32 v9, $0xC9F;
	_ =	sdelay $0x3  }
0x224: {  	v10 =	vpop (erf)  }
0x225: {  	[tilespmem:v9+s7+$0x0] =	vst.idx.msk vm0, v10  }
.LBB2_18:
0x226: {  	[hbm4b:s14+s8] =	stream.linear.scatter [tilespmem:s7], [sflag:$0x6], $0xCA0, $0x38;
	[tilespmem:$0x4100] =	vst v63  }
0x227: {  	_ = 	snop  }
0x228: {  	[hbm4b:s15+s8] =	stream.linear.scatter [tilespmem:s7], [sflag:$0x7], $0xCA0, $0x38;
	[tilespmem:$0x4100] =	vst v63  }
0x229: {  	_ =	swait.ge [sflag:s30], $0xCA0  }
.Ltmp11:
0x22a: {  	[sflag:s30] =	ssyncset.done $0x0;
	(pc) =	sbr.rel .LBB2_19-.Ltmp11, $4  }
0x22b: {  	[sflag:s30] =	ssyncadd.s32 $0xFFFFF360  }
0x22c: {  	_ =	swait.ge [sflag:s0], $0xCA0  }
0x22d: {  	[sflag:s0] =	ssyncset.done $0x0  }
0x22e: {  	[sflag:s0] =	ssyncadd.s32 $0xFFFFF360  }
.LBB2_13:
.Ltmp12:
0x22f: {  	(pc) =	sbr.rel .LBB2_17-.Ltmp12, $2  }
0x230: {  	_ =	sdelay $0x2  }
0x231: {  	s6 =	smov.u32 s4  }
.LBB2_15:
.Ltmp13:
0x232: {  	(pc) =	sbr.rel .LBB2_17-.Ltmp13, $2  }
0x233: {  	_ =	sdelay $0x2  }
0x234: {  	s6 =	smov.u32 s4  }
.LBB2_20:
0x235: {  	_ =	sfence.sel $0x180000  }
0x236: {  	[bflag:$0x0] =	sbarrier.arrive $0xFFFF  }
0x237: {  	_ =	strace $0x90000047  }
0x238: {  	s0 =	stileid.u32;
	[bflag:$0x2] =	sbarrier.arrive $0xFFFF  }
0x239: {  	p0 =	sne.s32 s0, $0x0;
	s0 =	rddreg [dreg:$0x9]  }
0x23a: {  	s0 =	sadd.s32 @!p0 $0x100000, s0  }
0x23b: {  	[sflag:s0] =	ssyncadd.tile.s32 @!p0 $0x1;
	_ =	shalt  }
.Lfunc_end2:
_tile_overlayer_lowered:
.L_overlay_start_2:
0x23c: {  	(tag) =	ssettag $0x2  }
0x23d: {  	s0 =	rddreg [dreg:$0x0];
	s2 =	stileid.u32  }
0x23e: {  	s1 =	rddreg [dreg:$0x1];
	p0 =	sne.s32 s2, $0x0  }
0x23f: {  	s3 =	rddreg [dreg:$0x2];
	[bflag:$0x3] =	sbarrier.arrive $0xFFFF;
	s2 =	simm.s32 @!p0 $0x1C08  }
0x240: {  	[timem:s3], [sflag:s2] =	dma.local @!p0 [hbm:s0], s1  }
0x241: {  	s0 =	simm.s32 @!p0 $0x8  }
0x242: {  	_ =	swait.ge @!p0 [sflag:s0], s1  }
0x243: {  	s1 =	ssub.s32 @!p0 $0x0, s1;
	[sflag:s0] =	ssyncset.done @!p0 $0x0  }
0x244: {  	[sflag:s0] =	ssyncadd.s32 @!p0 s1  }
0x245: {  	[bflag:$0x3] =	sbarrier.arrive $0xFFFF  }
0x246: {  	_ =	shalt  }

</sc_bundles>
